<compile_context>
chip_gen: v7x
topology: tpu7x:2x2x1
jax: 0.10.2.dev20260603
libtpu: 0.0.44.dev20260713+nightly
codegen_flags: <defaults>
</compile_context>

<pallas_src>
import functools

import jax
import jax.numpy as jnp
from jax import lax
from jax.experimental import pallas as pl
from jax.experimental.pallas import tpu as pltpu
from jax.experimental.pallas import tpu_sc as plsc

_LANES = 16
_NUM_WORKERS = 32
_COLS_PER_WORKER = 512
_SC_ROWS = 40
_SC_CHUNK_ROWS = 40
_TC_BLOCK_ROWS = 40
_TC_BLOCK_COLS = 2048


def _sc_run(kT, loc, scale, eT, n_cols):
    n_chunks = _SC_ROWS // _SC_CHUNK_ROWS
    mesh = plsc.VectorSubcoreMesh(core_axis_name="c", subcore_axis_name="s")

    @functools.partial(
        pl.kernel,
        mesh=mesh,
        compiler_params=pltpu.CompilerParams(
            needs_layout_passes=False, use_tc_tiling_on_sc=True),
        out_type=jax.ShapeDtypeStruct((_SC_ROWS, n_cols), jnp.float32),
        scratch_types=[
            pltpu.VMEM((8,), jnp.float32),
            pltpu.VMEM((8,), jnp.float32),
            pltpu.VMEM((_SC_CHUNK_ROWS, _COLS_PER_WORKER), jnp.int32),
            pltpu.VMEM((_SC_CHUNK_ROWS, _COLS_PER_WORKER), jnp.int32),
            pltpu.VMEM((_SC_CHUNK_ROWS, _COLS_PER_WORKER), jnp.float32),
            pltpu.VMEM((_SC_CHUNK_ROWS, _COLS_PER_WORKER), jnp.float32),
            pltpu.VMEM((_SC_CHUNK_ROWS, _COLS_PER_WORKER), jnp.float32),
            pltpu.VMEM((_SC_CHUNK_ROWS, _COLS_PER_WORKER), jnp.float32),
            pltpu.SemaphoreType.DMA,
            pltpu.SemaphoreType.DMA,
            pltpu.SemaphoreType.DMA,
            pltpu.SemaphoreType.DMA,
        ],
    )
    def run(k_hbm, loc_hbm, scale_hbm, eps_hbm, out_hbm,
            tloc, tscl, kb0, kb1, eb0, eb1, ob0, ob1,
            isem0, isem1, osem0, osem1):
        wid = lax.axis_index("s") * 2 + lax.axis_index("c")
        cols = pl.ds(wid * _COLS_PER_WORKER, _COLS_PER_WORKER)
        pltpu.sync_copy(loc_hbm, tloc)
        pltpu.sync_copy(scale_hbm, tscl)

        kb, eb, ob = (kb0, kb1), (eb0, eb1), (ob0, ob1)
        isems = (isem0, isem1)
        osems = (osem0, osem1)

        def start_in(g):
            slot = g % 2
            rows = pl.ds(g * _SC_CHUNK_ROWS, _SC_CHUNK_ROWS)
            sem = isems[slot]
            return (
                pltpu.async_copy(k_hbm.at[rows, cols], kb[slot], sem),
                pltpu.async_copy(eps_hbm.at[rows, cols], eb[slot], sem),
            )

        pending_in = {0: start_in(0)}
        pending_out = {}
        for g in range(n_chunks):
            slot = g % 2
            if g + 1 < n_chunks:
                pending_in[g + 1] = start_in(g + 1)
            for h in pending_in.pop(g):
                h.wait()
            if g >= 2:
                pending_out.pop(g - 2).wait()

            kbs, ebs, obs = kb[slot], eb[slot], ob[slot]

            @plsc.parallel_loop(0, _SC_CHUNK_ROWS, 1)
            def _(r):
                for cc in range(_COLS_PER_WORKER // _LANES):
                    s = pl.ds(cc * _LANES, _LANES)
                    kv = kbs[r, s]
                    obs[r, s] = (plsc.load_gather(tloc, [kv])
                                 + plsc.load_gather(tscl, [kv]) * ebs[r, s])

            rows = pl.ds(g * _SC_CHUNK_ROWS, _SC_CHUNK_ROWS)
            pending_out[g] = pltpu.async_copy(
                obs, out_hbm.at[rows, cols], osems[slot])
        for h in pending_out.values():
            h.wait()

    return run(kT, loc, scale, eT)


def _tc_run(kT, loc, scale, eT, n_rows, n_cols):
    tc_rows = n_rows - _SC_ROWS
    row0 = _SC_ROWS // _TC_BLOCK_ROWS
    grid = (tc_rows // _TC_BLOCK_ROWS, n_cols // _TC_BLOCK_COLS)

    def body(loc_ref, scl_ref, k_ref, e_ref, o_ref):
        kv = k_ref[...]
        ev = e_ref[...]
        acc = jnp.zeros_like(ev)
        for i in range(8):
            acc = jnp.where(kv == i, loc_ref[i] + scl_ref[i] * ev, acc)
        o_ref[...] = acc

    spec = pl.BlockSpec((_TC_BLOCK_ROWS, _TC_BLOCK_COLS),
                        lambda i, j: (row0 + i, j))
    return pl.pallas_call(
        body,
        grid=grid,
        in_specs=[
            pl.BlockSpec(memory_space=pltpu.SMEM),
            pl.BlockSpec(memory_space=pltpu.SMEM),
            spec,
            spec,
        ],
        out_specs=spec,
        out_shape=jax.ShapeDtypeStruct((n_rows, n_cols), jnp.float32),
    )(loc, scale, kT, eT)


def kernel(k, loc, scale, eps):
    n_rows, n_cols = k.shape
    kT = k.astype(jnp.int32).T
    eT = eps.astype(jnp.float32).T
    loc = loc.astype(jnp.float32)
    scale = scale.astype(jnp.float32)
    sc_part = _sc_run(kT, loc, scale, eT, n_rows)
    tc_full = _tc_run(kT, loc, scale, eT, n_cols, n_rows)
    outT = lax.dynamic_update_slice(tc_full, sc_part, (0, 0))
    return outT.T

# --- scband reference (transcript-rebuilt; emitter-appended) ---
"""Pipeline reference for scband-imaginary-population-24086176596466 (READ-ONLY COPY).

The authoritative reference and input builder live on the scoring server;
editing this copy changes nothing except your own understanding.
"""

import jax, jax.numpy as jnp
import numpy as np

K_PLANES = 8
IDX_SHAPE = (16384, 200)


def setup_inputs(seed: int = 0) -> dict:
    key = jax.random.key(seed)
    k1, k2 = jax.random.split(key)
    # forward arg: plane-membership indices in [0, K_PLANES)
    k_idx = jax.random.randint(k1, IDX_SHAPE, 0, K_PLANES, dtype=jnp.int64 if jax.config.read('jax_enable_x64') else jnp.int32)
    # learned per-plane distribution parameters (Normal(loc_i, scale_i)); torch module
    # constructs every plane with loc=0.0, scale=1.0
    loc = jnp.zeros((K_PLANES,), dtype=jnp.float32)
    scale = jnp.ones((K_PLANES,), dtype=jnp.float32)
    # reparameterization noise used by rsample (torch draws it internally per plane;
    # drawing one eps per output slot and gathering params is distributionally identical)
    eps = jax.random.normal(k2, IDX_SHAPE, dtype=jnp.float32)
    return {"k": k_idx, "loc": loc, "scale": scale, "eps": eps}


def reference(k, loc, scale, eps):
    # Faithful translation of:
    #   output = zeros(*k.size())
    #   for i: where = (k == i); output[where] = planes[i].rsample((where.sum(),))
    # Each plane is Normal(loc[i], scale[i]) with event_shape=(), so
    # rsample = loc[i] + scale[i] * eps. The per-plane masked scatter-write is
    # exactly a gather of plane params by k followed by the reparameterized sample.
    out = jnp.take(loc, k, axis=0) + jnp.take(scale, k, axis=0) * eps
    return out

if __name__ == "__main__":
    import jax
    _d = setup_inputs()
    print(jax.jit(kernel)(*tuple(_d.values())))

</pallas_src>

<mosaic_0001>
#map = affine_map<(d0, d1) -> (0, 0)>
#map1 = affine_map<(d0, d1) -> (0)>
module attributes {stable_mosaic.version = 14 : i64} {
  func.func @run(%arg0: i32, %arg1: i32, %arg2: memref<200x16384xi32, #tpu.memory_space<hbm>>, %arg3: memref<8xf32, #tpu.memory_space<hbm>>, %arg4: memref<8xf32, #tpu.memory_space<hbm>>, %arg5: memref<200x16384xf32, #tpu.memory_space<hbm>>, %arg6: memref<40x16384xf32, #tpu.memory_space<hbm>>, %arg7: memref<8xf32, #tpu.memory_space<vmem>>, %arg8: memref<8xf32, #tpu.memory_space<vmem>>, %arg9: memref<40x512xi32, #tpu.memory_space<vmem>>, %arg10: memref<40x512xi32, #tpu.memory_space<vmem>>, %arg11: memref<40x512xf32, #tpu.memory_space<vmem>>, %arg12: memref<40x512xf32, #tpu.memory_space<vmem>>, %arg13: memref<40x512xf32, #tpu.memory_space<vmem>>, %arg14: memref<40x512xf32, #tpu.memory_space<vmem>>, %arg15: memref<!tpu.dma_semaphore, #tpu.memory_space<semaphore_mem>>, %arg16: memref<!tpu.dma_semaphore, #tpu.memory_space<semaphore_mem>>, %arg17: memref<!tpu.dma_semaphore, #tpu.memory_space<semaphore_mem>>, %arg18: memref<!tpu.dma_semaphore, #tpu.memory_space<semaphore_mem>>) attributes {dimension_semantics = [#tpu.dimension_semantics<core_parallel>, #tpu.dimension_semantics<subcore_parallel>], iteration_bounds = array<i64: 2, 16>, scalar_prefetch = 0 : i64, scratch_operands = 12 : i64, tpu.core_type = #tpu.core_type<sc_vector_subcore>, window_params = [{transform_indices = #map}, {transform_indices = #map1}, {transform_indices = #map1}, {transform_indices = #map}, {transform_indices = #map}]} {
    %mul3A = arith.constant 2 : i32
    %mul3A_0 = arith.muli %arg1, %mul3A : i32
    %add3A = arith.addi %mul3A_0, %arg0 : i32
    %mul3A_1 = arith.constant 512 : i32
    %mul3A_2 = arith.muli %add3A, %mul3A_1 : i32
    "tpu.region"() ({
      %run_scoped3A = tpu.sem_alloc : memref<!tpu.dma_semaphore, #tpu.memory_space<semaphore_mem>>
      tpu.enqueue_dma source(%arg3 : memref<8xf32, #tpu.memory_space<hbm>>) target(%arg7 : memref<8xf32, #tpu.memory_space<vmem>>) target_semaphore(%run_scoped3A : memref<!tpu.dma_semaphore, #tpu.memory_space<semaphore_mem>>)
      tpu.wait_dma2 semaphore(%run_scoped3A : memref<!tpu.dma_semaphore, #tpu.memory_space<semaphore_mem>>) src(%arg3 : memref<8xf32, #tpu.memory_space<hbm>>) dst(%arg7 : memref<8xf32, #tpu.memory_space<vmem>>)
      tpu.yield
    }) : () -> ()
    "tpu.region"() ({
      %run_scoped3A = tpu.sem_alloc : memref<!tpu.dma_semaphore, #tpu.memory_space<semaphore_mem>>
      tpu.enqueue_dma source(%arg4 : memref<8xf32, #tpu.memory_space<hbm>>) target(%arg8 : memref<8xf32, #tpu.memory_space<vmem>>) target_semaphore(%run_scoped3A : memref<!tpu.dma_semaphore, #tpu.memory_space<semaphore_mem>>)
      tpu.wait_dma2 semaphore(%run_scoped3A : memref<!tpu.dma_semaphore, #tpu.memory_space<semaphore_mem>>) src(%arg4 : memref<8xf32, #tpu.memory_space<hbm>>) dst(%arg8 : memref<8xf32, #tpu.memory_space<vmem>>)
      tpu.yield
    }) : () -> ()
    %dma_start3A = arith.constant 0 : i32
    %dma_start3A_3 = tpu.memref_slice %arg2[%dma_start3A, %mul3A_2] : memref<200x16384xi32, #tpu.memory_space<hbm>> -> memref<40x512xi32, #tpu.memory_space<hbm>>
    %dma_start3A_4 = arith.constant 0 : i32
    %dma_start3A_5 = tpu.memref_slice %arg2[%dma_start3A_4, %mul3A_2] : memref<200x16384xi32, #tpu.memory_space<hbm>> -> memref<40x512xi32, #tpu.memory_space<hbm>>
    tpu.enqueue_dma source(%dma_start3A_5 : memref<40x512xi32, #tpu.memory_space<hbm>>) target(%arg9 : memref<40x512xi32, #tpu.memory_space<vmem>>) target_semaphore(%arg15 : memref<!tpu.dma_semaphore, #tpu.memory_space<semaphore_mem>>)
    %dma_start3A_6 = arith.constant 0 : i32
    %dma_start3A_7 = tpu.memref_slice %arg5[%dma_start3A_6, %mul3A_2] : memref<200x16384xf32, #tpu.memory_space<hbm>> -> memref<40x512xf32, #tpu.memory_space<hbm>>
    %dma_start3A_8 = arith.constant 0 : i32
    %dma_start3A_9 = tpu.memref_slice %arg5[%dma_start3A_8, %mul3A_2] : memref<200x16384xf32, #tpu.memory_space<hbm>> -> memref<40x512xf32, #tpu.memory_space<hbm>>
    tpu.enqueue_dma source(%dma_start3A_9 : memref<40x512xf32, #tpu.memory_space<hbm>>) target(%arg11 : memref<40x512xf32, #tpu.memory_space<vmem>>) target_semaphore(%arg15 : memref<!tpu.dma_semaphore, #tpu.memory_space<semaphore_mem>>)
    %dma_wait3A = arith.constant 0 : i32
    %dma_wait3A_10 = tpu.memref_slice %arg2[%dma_wait3A, %mul3A_2] : memref<200x16384xi32, #tpu.memory_space<hbm>> -> memref<40x512xi32, #tpu.memory_space<hbm>>
    %dma_wait3A_11 = arith.constant 0 : i32
    %dma_wait3A_12 = tpu.memref_slice %arg2[%dma_wait3A_11, %mul3A_2] : memref<200x16384xi32, #tpu.memory_space<hbm>> -> memref<40x512xi32, #tpu.memory_space<hbm>>
    tpu.wait_dma2 semaphore(%arg15 : memref<!tpu.dma_semaphore, #tpu.memory_space<semaphore_mem>>) src(%dma_wait3A_12 : memref<40x512xi32, #tpu.memory_space<hbm>>) dst(%arg9 : memref<40x512xi32, #tpu.memory_space<vmem>>)
    %dma_wait3A_13 = arith.constant 0 : i32
    %dma_wait3A_14 = tpu.memref_slice %arg5[%dma_wait3A_13, %mul3A_2] : memref<200x16384xf32, #tpu.memory_space<hbm>> -> memref<40x512xf32, #tpu.memory_space<hbm>>
    %dma_wait3A_15 = arith.constant 0 : i32
    %dma_wait3A_16 = tpu.memref_slice %arg5[%dma_wait3A_15, %mul3A_2] : memref<200x16384xf32, #tpu.memory_space<hbm>> -> memref<40x512xf32, #tpu.memory_space<hbm>>
    tpu.wait_dma2 semaphore(%arg15 : memref<!tpu.dma_semaphore, #tpu.memory_space<semaphore_mem>>) src(%dma_wait3A_16 : memref<40x512xf32, #tpu.memory_space<hbm>>) dst(%arg11 : memref<40x512xf32, #tpu.memory_space<vmem>>)
    %parallel_loop3A = arith.constant 0 : i32
    %parallel_loop3A_17 = arith.constant 40 : i32
    %parallel_loop3A_18 = arith.constant 1 : i32
    scf.for %parallel_loop3A_27 = %parallel_loop3A to %parallel_loop3A_17 step %parallel_loop3A_18  : i32 {
      %parallel_loop3A_28 = arith.index_cast %parallel_loop3A_27 : i32 to index
      %parallel_loop3A_29 = arith.constant 0 : index
      %parallel_loop3A_30 = tpu.vector_load %arg9[%parallel_loop3A_28, %parallel_loop3A_29] {strides = array<i32>} : memref<40x512xi32, #tpu.memory_space<vmem>>, vector<16xi32>,
      %parallel_loop3A_31 = tpu.vector_load_idx %arg7[%parallel_loop3A_30] : memref<8xf32, #tpu.memory_space<vmem>>[vector<16xi32>], vector<16xf32>,
      %parallel_loop3A_32 = tpu.vector_load_idx %arg8[%parallel_loop3A_30] : memref<8xf32, #tpu.memory_space<vmem>>[vector<16xi32>], vector<16xf32>,
      %parallel_loop3A_33 = arith.index_cast %parallel_loop3A_27 : i32 to index
      %parallel_loop3A_34 = arith.constant 0 : index
      %parallel_loop3A_35 = tpu.vector_load %arg11[%parallel_loop3A_33, %parallel_loop3A_34] {strides = array<i32>} : memref<40x512xf32, #tpu.memory_space<vmem>>, vector<16xf32>,
      %parallel_loop3A_36 = arith.mulf %parallel_loop3A_32, %parallel_loop3A_35 : vector<16xf32>
      %parallel_loop3A_37 = arith.addf %parallel_loop3A_31, %parallel_loop3A_36 : vector<16xf32>
      %parallel_loop3A_38 = arith.index_cast %parallel_loop3A_27 : i32 to index
      %parallel_loop3A_39 = arith.constant 0 : index
      %parallel_loop3A_40 = tpu.vector_load %arg13[%parallel_loop3A_38, %parallel_loop3A_39] {strides = array<i32>} : memref<40x512xf32, #tpu.memory_space<vmem>>, vector<16xf32>,
      tpu.vector_store %arg13[%parallel_loop3A_38, %parallel_loop3A_39], %parallel_loop3A_37 {strides = array<i32>} : memref<40x512xf32, #tpu.memory_space<vmem>>, vector<16xf32>,
      %parallel_loop3A_41 = arith.index_cast %parallel_loop3A_27 : i32 to index
      %parallel_loop3A_42 = arith.constant 16 : index
      %parallel_loop3A_43 = tpu.vector_load %arg9[%parallel_loop3A_41, %parallel_loop3A_42] {strides = array<i32>} : memref<40x512xi32, #tpu.memory_space<vmem>>, vector<16xi32>,
      %parallel_loop3A_44 = tpu.vector_load_idx %arg7[%parallel_loop3A_43] : memref<8xf32, #tpu.memory_space<vmem>>[vector<16xi32>], vector<16xf32>,
      %parallel_loop3A_45 = tpu.vector_load_idx %arg8[%parallel_loop3A_43] : memref<8xf32, #tpu.memory_space<vmem>>[vector<16xi32>], vector<16xf32>,
      %parallel_loop3A_46 = arith.index_cast %parallel_loop3A_27 : i32 to index
      %parallel_loop3A_47 = arith.constant 16 : index
      %parallel_loop3A_48 = tpu.vector_load %arg11[%parallel_loop3A_46, %parallel_loop3A_47] {strides = array<i32>} : memref<40x512xf32, #tpu.memory_space<vmem>>, vector<16xf32>,
      %parallel_loop3A_49 = arith.mulf %parallel_loop3A_45, %parallel_loop3A_48 : vector<16xf32>
      %parallel_loop3A_50 = arith.addf %parallel_loop3A_44, %parallel_loop3A_49 : vector<16xf32>
      %parallel_loop3A_51 = arith.index_cast %parallel_loop3A_27 : i32 to index
      %parallel_loop3A_52 = arith.constant 16 : index
      %parallel_loop3A_53 = tpu.vector_load %arg13[%parallel_loop3A_51, %parallel_loop3A_52] {strides = array<i32>} : memref<40x512xf32, #tpu.memory_space<vmem>>, vector<16xf32>,
      tpu.vector_store %arg13[%parallel_loop3A_51, %parallel_loop3A_52], %parallel_loop3A_50 {strides = array<i32>} : memref<40x512xf32, #tpu.memory_space<vmem>>, vector<16xf32>,
      %parallel_loop3A_54 = arith.index_cast %parallel_loop3A_27 : i32 to index
      %parallel_loop3A_55 = arith.constant 32 : index
      %parallel_loop3A_56 = tpu.vector_load %arg9[%parallel_loop3A_54, %parallel_loop3A_55] {strides = array<i32>} : memref<40x512xi32, #tpu.memory_space<vmem>>, vector<16xi32>,
      %parallel_loop3A_57 = tpu.vector_load_idx %arg7[%parallel_loop3A_56] : memref<8xf32, #tpu.memory_space<vmem>>[vector<16xi32>], vector<16xf32>,
      %parallel_loop3A_58 = tpu.vector_load_idx %arg8[%parallel_loop3A_56] : memref<8xf32, #tpu.memory_space<vmem>>[vector<16xi32>], vector<16xf32>,
      %parallel_loop3A_59 = arith.index_cast %parallel_loop3A_27 : i32 to index
      %parallel_loop3A_60 = arith.constant 32 : index
      %parallel_loop3A_61 = tpu.vector_load %arg11[%parallel_loop3A_59, %parallel_loop3A_60] {strides = array<i32>} : memref<40x512xf32, #tpu.memory_space<vmem>>, vector<16xf32>,
      %parallel_loop3A_62 = arith.mulf %parallel_loop3A_58, %parallel_loop3A_61 : vector<16xf32>
      %parallel_loop3A_63 = arith.addf %parallel_loop3A_57, %parallel_loop3A_62 : vector<16xf32>
      %parallel_loop3A_64 = arith.index_cast %parallel_loop3A_27 : i32 to index
      %parallel_loop3A_65 = arith.constant 32 : index
      %parallel_loop3A_66 = tpu.vector_load %arg13[%parallel_loop3A_64, %parallel_loop3A_65] {strides = array<i32>} : memref<40x512xf32, #tpu.memory_space<vmem>>, vector<16xf32>,
      tpu.vector_store %arg13[%parallel_loop3A_64, %parallel_loop3A_65], %parallel_loop3A_63 {strides = array<i32>} : memref<40x512xf32, #tpu.memory_space<vmem>>, vector<16xf32>,
      %parallel_loop3A_67 = arith.index_cast %parallel_loop3A_27 : i32 to index
      %parallel_loop3A_68 = arith.constant 48 : index
      %parallel_loop3A_69 = tpu.vector_load %arg9[%parallel_loop3A_67, %parallel_loop3A_68] {strides = array<i32>} : memref<40x512xi32, #tpu.memory_space<vmem>>, vector<16xi32>,
      %parallel_loop3A_70 = tpu.vector_load_idx %arg7[%parallel_loop3A_69] : memref<8xf32, #tpu.memory_space<vmem>>[vector<16xi32>], vector<16xf32>,
      %parallel_loop3A_71 = tpu.vector_load_idx %arg8[%parallel_loop3A_69] : memref<8xf32, #tpu.memory_space<vmem>>[vector<16xi32>], vector<16xf32>,
      %parallel_loop3A_72 = arith.index_cast %parallel_loop3A_27 : i32 to index
      %parallel_loop3A_73 = arith.constant 48 : index
      %parallel_loop3A_74 = tpu.vector_load %arg11[%parallel_loop3A_72, %parallel_loop3A_73] {strides = array<i32>} : memref<40x512xf32, #tpu.memory_space<vmem>>, vector<16xf32>,
      %parallel_loop3A_75 = arith.mulf %parallel_loop3A_71, %parallel_loop3A_74 : vector<16xf32>
      %parallel_loop3A_76 = arith.addf %parallel_loop3A_70, %parallel_loop3A_75 : vector<16xf32>
      %parallel_loop3A_77 = arith.index_cast %parallel_loop3A_27 : i32 to index
      %parallel_loop3A_78 = arith.constant 48 : index
      %parallel_loop3A_79 = tpu.vector_load %arg13[%parallel_loop3A_77, %parallel_loop3A_78] {strides = array<i32>} : memref<40x512xf32, #tpu.memory_space<vmem>>, vector<16xf32>,
      tpu.vector_store %arg13[%parallel_loop3A_77, %parallel_loop3A_78], %parallel_loop3A_76 {strides = array<i32>} : memref<40x512xf32, #tpu.memory_space<vmem>>, vector<16xf32>,
      %parallel_loop3A_80 = arith.index_cast %parallel_loop3A_27 : i32 to index
      %parallel_loop3A_81 = arith.constant 64 : index
      %parallel_loop3A_82 = tpu.vector_load %arg9[%parallel_loop3A_80, %parallel_loop3A_81] {strides = array<i32>} : memref<40x512xi32, #tpu.memory_space<vmem>>, vector<16xi32>,
      %parallel_loop3A_83 = tpu.vector_load_idx %arg7[%parallel_loop3A_82] : memref<8xf32, #tpu.memory_space<vmem>>[vector<16xi32>], vector<16xf32>,
      %parallel_loop3A_84 = tpu.vector_load_idx %arg8[%parallel_loop3A_82] : memref<8xf32, #tpu.memory_space<vmem>>[vector<16xi32>], vector<16xf32>,
      %parallel_loop3A_85 = arith.index_cast %parallel_loop3A_27 : i32 to index
      %parallel_loop3A_86 = arith.constant 64 : index
      %parallel_loop3A_87 = tpu.vector_load %arg11[%parallel_loop3A_85, %parallel_loop3A_86] {strides = array<i32>} : memref<40x512xf32, #tpu.memory_space<vmem>>, vector<16xf32>,
      %parallel_loop3A_88 = arith.mulf %parallel_loop3A_84, %parallel_loop3A_87 : vector<16xf32>
      %parallel_loop3A_89 = arith.addf %parallel_loop3A_83, %parallel_loop3A_88 : vector<16xf32>
      %parallel_loop3A_90 = arith.index_cast %parallel_loop3A_27 : i32 to index
      %parallel_loop3A_91 = arith.constant 64 : index
      %parallel_loop3A_92 = tpu.vector_load %arg13[%parallel_loop3A_90, %parallel_loop3A_91] {strides = array<i32>} : memref<40x512xf32, #tpu.memory_space<vmem>>, vector<16xf32>,
      tpu.vector_store %arg13[%parallel_loop3A_90, %parallel_loop3A_91], %parallel_loop3A_89 {strides = array<i32>} : memref<40x512xf32, #tpu.memory_space<vmem>>, vector<16xf32>,
      %parallel_loop3A_93 = arith.index_cast %parallel_loop3A_27 : i32 to index
      %parallel_loop3A_94 = arith.constant 80 : index
      %parallel_loop3A_95 = tpu.vector_load %arg9[%parallel_loop3A_93, %parallel_loop3A_94] {strides = array<i32>} : memref<40x512xi32, #tpu.memory_space<vmem>>, vector<16xi32>,
      %parallel_loop3A_96 = tpu.vector_load_idx %arg7[%parallel_loop3A_95] : memref<8xf32, #tpu.memory_space<vmem>>[vector<16xi32>], vector<16xf32>,
      %parallel_loop3A_97 = tpu.vector_load_idx %arg8[%parallel_loop3A_95] : memref<8xf32, #tpu.memory_space<vmem>>[vector<16xi32>], vector<16xf32>,
      %parallel_loop3A_98 = arith.index_cast %parallel_loop3A_27 : i32 to index
      %parallel_loop3A_99 = arith.constant 80 : index
      %parallel_loop3A_100 = tpu.vector_load %arg11[%parallel_loop3A_98, %parallel_loop3A_99] {strides = array<i32>} : memref<40x512xf32, #tpu.memory_space<vmem>>, vector<16xf32>,
      %parallel_loop3A_101 = arith.mulf %parallel_loop3A_97, %parallel_loop3A_100 : vector<16xf32>
      %parallel_loop3A_102 = arith.addf %parallel_loop3A_96, %parallel_loop3A_101 : vector<16xf32>
      %parallel_loop3A_103 = arith.index_cast %parallel_loop3A_27 : i32 to index
      %parallel_loop3A_104 = arith.constant 80 : index
      %parallel_loop3A_105 = tpu.vector_load %arg13[%parallel_loop3A_103, %parallel_loop3A_104] {strides = array<i32>} : memref<40x512xf32, #tpu.memory_space<vmem>>, vector<16xf32>,
      tpu.vector_store %arg13[%parallel_loop3A_103, %parallel_loop3A_104], %parallel_loop3A_102 {strides = array<i32>} : memref<40x512xf32, #tpu.memory_space<vmem>>, vector<16xf32>,
      %parallel_loop3A_106 = arith.index_cast %parallel_loop3A_27 : i32 to index
      %parallel_loop3A_107 = arith.constant 96 : index
      %parallel_loop3A_108 = tpu.vector_load %arg9[%parallel_loop3A_106, %parallel_loop3A_107] {strides = array<i32>} : memref<40x512xi32, #tpu.memory_space<vmem>>, vector<16xi32>,
      %parallel_loop3A_109 = tpu.vector_load_idx %arg7[%parallel_loop3A_108] : memref<8xf32, #tpu.memory_space<vmem>>[vector<16xi32>], vector<16xf32>,
      %parallel_loop3A_110 = tpu.vector_load_idx %arg8[%parallel_loop3A_108] : memref<8xf32, #tpu.memory_space<vmem>>[vector<16xi32>], vector<16xf32>,
      %parallel_loop3A_111 = arith.index_cast %parallel_loop3A_27 : i32 to index
      %parallel_loop3A_112 = arith.constant 96 : index
      %parallel_loop3A_113 = tpu.vector_load %arg11[%parallel_loop3A_111, %parallel_loop3A_112] {strides = array<i32>} : memref<40x512xf32, #tpu.memory_space<vmem>>, vector<16xf32>,
      %parallel_loop3A_114 = arith.mulf %parallel_loop3A_110, %parallel_loop3A_113 : vector<16xf32>
      %parallel_loop3A_115 = arith.addf %parallel_loop3A_109, %parallel_loop3A_114 : vector<16xf32>
      %parallel_loop3A_116 = arith.index_cast %parallel_loop3A_27 : i32 to index
      %parallel_loop3A_117 = arith.constant 96 : index
      %parallel_loop3A_118 = tpu.vector_load %arg13[%parallel_loop3A_116, %parallel_loop3A_117] {strides = array<i32>} : memref<40x512xf32, #tpu.memory_space<vmem>>, vector<16xf32>,
      tpu.vector_store %arg13[%parallel_loop3A_116, %parallel_loop3A_117], %parallel_loop3A_115 {strides = array<i32>} : memref<40x512xf32, #tpu.memory_space<vmem>>, vector<16xf32>,
      %parallel_loop3A_119 = arith.index_cast %parallel_loop3A_27 : i32 to index
      %parallel_loop3A_120 = arith.constant 112 : index
      %parallel_loop3A_121 = tpu.vector_load %arg9[%parallel_loop3A_119, %parallel_loop3A_120] {strides = array<i32>} : memref<40x512xi32, #tpu.memory_space<vmem>>, vector<16xi32>,
      %parallel_loop3A_122 = tpu.vector_load_idx %arg7[%parallel_loop3A_121] : memref<8xf32, #tpu.memory_space<vmem>>[vector<16xi32>], vector<16xf32>,
      %parallel_loop3A_123 = tpu.vector_load_idx %arg8[%parallel_loop3A_121] : memref<8xf32, #tpu.memory_space<vmem>>[vector<16xi32>], vector<16xf32>,
      %parallel_loop3A_124 = arith.index_cast %parallel_loop3A_27 : i32 to index
      %parallel_loop3A_125 = arith.constant 112 : index
      %parallel_loop3A_126 = tpu.vector_load %arg11[%parallel_loop3A_124, %parallel_loop3A_125] {strides = array<i32>} : memref<40x512xf32, #tpu.memory_space<vmem>>, vector<16xf32>,
      %parallel_loop3A_127 = arith.mulf %parallel_loop3A_123, %parallel_loop3A_126 : vector<16xf32>
      %parallel_loop3A_128 = arith.addf %parallel_loop3A_122, %parallel_loop3A_127 : vector<16xf32>
      %parallel_loop3A_129 = arith.index_cast %parallel_loop3A_27 : i32 to index
      %parallel_loop3A_130 = arith.constant 112 : index
      %parallel_loop3A_131 = tpu.vector_load %arg13[%parallel_loop3A_129, %parallel_loop3A_130] {strides = array<i32>} : memref<40x512xf32, #tpu.memory_space<vmem>>, vector<16xf32>,
      tpu.vector_store %arg13[%parallel_loop3A_129, %parallel_loop3A_130], %parallel_loop3A_128 {strides = array<i32>} : memref<40x512xf32, #tpu.memory_space<vmem>>, vector<16xf32>,
      %parallel_loop3A_132 = arith.index_cast %parallel_loop3A_27 : i32 to index
      %parallel_loop3A_133 = arith.constant 128 : index
      %parallel_loop3A_134 = tpu.vector_load %arg9[%parallel_loop3A_132, %parallel_loop3A_133] {strides = array<i32>} : memref<40x512xi32, #tpu.memory_space<vmem>>, vector<16xi32>,
      %parallel_loop3A_135 = tpu.vector_load_idx %arg7[%parallel_loop3A_134] : memref<8xf32, #tpu.memory_space<vmem>>[vector<16xi32>], vector<16xf32>,
      %parallel_loop3A_136 = tpu.vector_load_idx %arg8[%parallel_loop3A_134] : memref<8xf32, #tpu.memory_space<vmem>>[vector<16xi32>], vector<16xf32>,
      %parallel_loop3A_137 = arith.index_cast %parallel_loop3A_27 : i32 to index
      %parallel_loop3A_138 = arith.constant 128 : index
      %parallel_loop3A_139 = tpu.vector_load %arg11[%parallel_loop3A_137, %parallel_loop3A_138] {strides = array<i32>} : memref<40x512xf32, #tpu.memory_space<vmem>>, vector<16xf32>,
      %parallel_loop3A_140 = arith.mulf %parallel_loop3A_136, %parallel_loop3A_139 : vector<16xf32>
      %parallel_loop3A_141 = arith.addf %parallel_loop3A_135, %parallel_loop3A_140 : vector<16xf32>
      %parallel_loop3A_142 = arith.index_cast %parallel_loop3A_27 : i32 to index
      %parallel_loop3A_143 = arith.constant 128 : index
      %parallel_loop3A_144 = tpu.vector_load %arg13[%parallel_loop3A_142, %parallel_loop3A_143] {strides = array<i32>} : memref<40x512xf32, #tpu.memory_space<vmem>>, vector<16xf32>,
      tpu.vector_store %arg13[%parallel_loop3A_142, %parallel_loop3A_143], %parallel_loop3A_141 {strides = array<i32>} : memref<40x512xf32, #tpu.memory_space<vmem>>, vector<16xf32>,
      %parallel_loop3A_145 = arith.index_cast %parallel_loop3A_27 : i32 to index
      %parallel_loop3A_146 = arith.constant 144 : index
      %parallel_loop3A_147 = tpu.vector_load %arg9[%parallel_loop3A_145, %parallel_loop3A_146] {strides = array<i32>} : memref<40x512xi32, #tpu.memory_space<vmem>>, vector<16xi32>,
      %parallel_loop3A_148 = tpu.vector_load_idx %arg7[%parallel_loop3A_147] : memref<8xf32, #tpu.memory_space<vmem>>[vector<16xi32>], vector<16xf32>,
      %parallel_loop3A_149 = tpu.vector_load_idx %arg8[%parallel_loop3A_147] : memref<8xf32, #tpu.memory_space<vmem>>[vector<16xi32>], vector<16xf32>,
      %parallel_loop3A_150 = arith.index_cast %parallel_loop3A_27 : i32 to index
      %parallel_loop3A_151 = arith.constant 144 : index
      %parallel_loop3A_152 = tpu.vector_load %arg11[%parallel_loop3A_150, %parallel_loop3A_151] {strides = array<i32>} : memref<40x512xf32, #tpu.memory_space<vmem>>, vector<16xf32>,
      %parallel_loop3A_153 = arith.mulf %parallel_loop3A_149, %parallel_loop3A_152 : vector<16xf32>
      %parallel_loop3A_154 = arith.addf %parallel_loop3A_148, %parallel_loop3A_153 : vector<16xf32>
      %parallel_loop3A_155 = arith.index_cast %parallel_loop3A_27 : i32 to index
      %parallel_loop3A_156 = arith.constant 144 : index
      %parallel_loop3A_157 = tpu.vector_load %arg13[%parallel_loop3A_155, %parallel_loop3A_156] {strides = array<i32>} : memref<40x512xf32, #tpu.memory_space<vmem>>, vector<16xf32>,
      tpu.vector_store %arg13[%parallel_loop3A_155, %parallel_loop3A_156], %parallel_loop3A_154 {strides = array<i32>} : memref<40x512xf32, #tpu.memory_space<vmem>>, vector<16xf32>,
      %parallel_loop3A_158 = arith.index_cast %parallel_loop3A_27 : i32 to index
      %parallel_loop3A_159 = arith.constant 160 : index
      %parallel_loop3A_160 = tpu.vector_load %arg9[%parallel_loop3A_158, %parallel_loop3A_159] {strides = array<i32>} : memref<40x512xi32, #tpu.memory_space<vmem>>, vector<16xi32>,
      %parallel_loop3A_161 = tpu.vector_load_idx %arg7[%parallel_loop3A_160] : memref<8xf32, #tpu.memory_space<vmem>>[vector<16xi32>], vector<16xf32>,
      %parallel_loop3A_162 = tpu.vector_load_idx %arg8[%parallel_loop3A_160] : memref<8xf32, #tpu.memory_space<vmem>>[vector<16xi32>], vector<16xf32>,
      %parallel_loop3A_163 = arith.index_cast %parallel_loop3A_27 : i32 to index
      %parallel_loop3A_164 = arith.constant 160 : index
      %parallel_loop3A_165 = tpu.vector_load %arg11[%parallel_loop3A_163, %parallel_loop3A_164] {strides = array<i32>} : memref<40x512xf32, #tpu.memory_space<vmem>>, vector<16xf32>,
      %parallel_loop3A_166 = arith.mulf %parallel_loop3A_162, %parallel_loop3A_165 : vector<16xf32>
      %parallel_loop3A_167 = arith.addf %parallel_loop3A_161, %parallel_loop3A_166 : vector<16xf32>
      %parallel_loop3A_168 = arith.index_cast %parallel_loop3A_27 : i32 to index
      %parallel_loop3A_169 = arith.constant 160 : index
      %parallel_loop3A_170 = tpu.vector_load %arg13[%parallel_loop3A_168, %parallel_loop3A_169] {strides = array<i32>} : memref<40x512xf32, #tpu.memory_space<vmem>>, vector<16xf32>,
      tpu.vector_store %arg13[%parallel_loop3A_168, %parallel_loop3A_169], %parallel_loop3A_167 {strides = array<i32>} : memref<40x512xf32, #tpu.memory_space<vmem>>, vector<16xf32>,
      %parallel_loop3A_171 = arith.index_cast %parallel_loop3A_27 : i32 to index
      %parallel_loop3A_172 = arith.constant 176 : index
      %parallel_loop3A_173 = tpu.vector_load %arg9[%parallel_loop3A_171, %parallel_loop3A_172] {strides = array<i32>} : memref<40x512xi32, #tpu.memory_space<vmem>>, vector<16xi32>,
      %parallel_loop3A_174 = tpu.vector_load_idx %arg7[%parallel_loop3A_173] : memref<8xf32, #tpu.memory_space<vmem>>[vector<16xi32>], vector<16xf32>,
      %parallel_loop3A_175 = tpu.vector_load_idx %arg8[%parallel_loop3A_173] : memref<8xf32, #tpu.memory_space<vmem>>[vector<16xi32>], vector<16xf32>,
      %parallel_loop3A_176 = arith.index_cast %parallel_loop3A_27 : i32 to index
      %parallel_loop3A_177 = arith.constant 176 : index
      %parallel_loop3A_178 = tpu.vector_load %arg11[%parallel_loop3A_176, %parallel_loop3A_177] {strides = array<i32>} : memref<40x512xf32, #tpu.memory_space<vmem>>, vector<16xf32>,
      %parallel_loop3A_179 = arith.mulf %parallel_loop3A_175, %parallel_loop3A_178 : vector<16xf32>
      %parallel_loop3A_180 = arith.addf %parallel_loop3A_174, %parallel_loop3A_179 : vector<16xf32>
      %parallel_loop3A_181 = arith.index_cast %parallel_loop3A_27 : i32 to index
      %parallel_loop3A_182 = arith.constant 176 : index
      %parallel_loop3A_183 = tpu.vector_load %arg13[%parallel_loop3A_181, %parallel_loop3A_182] {strides = array<i32>} : memref<40x512xf32, #tpu.memory_space<vmem>>, vector<16xf32>,
      tpu.vector_store %arg13[%parallel_loop3A_181, %parallel_loop3A_182], %parallel_loop3A_180 {strides = array<i32>} : memref<40x512xf32, #tpu.memory_space<vmem>>, vector<16xf32>,
      %parallel_loop3A_184 = arith.index_cast %parallel_loop3A_27 : i32 to index
      %parallel_loop3A_185 = arith.constant 192 : index
      %parallel_loop3A_186 = tpu.vector_load %arg9[%parallel_loop3A_184, %parallel_loop3A_185] {strides = array<i32>} : memref<40x512xi32, #tpu.memory_space<vmem>>, vector<16xi32>,
      %parallel_loop3A_187 = tpu.vector_load_idx %arg7[%parallel_loop3A_186] : memref<8xf32, #tpu.memory_space<vmem>>[vector<16xi32>], vector<16xf32>,
      %parallel_loop3A_188 = tpu.vector_load_idx %arg8[%parallel_loop3A_186] : memref<8xf32, #tpu.memory_space<vmem>>[vector<16xi32>], vector<16xf32>,
      %parallel_loop3A_189 = arith.index_cast %parallel_loop3A_27 : i32 to index
      %parallel_loop3A_190 = arith.constant 192 : index
      %parallel_loop3A_191 = tpu.vector_load %arg11[%parallel_loop3A_189, %parallel_loop3A_190] {strides = array<i32>} : memref<40x512xf32, #tpu.memory_space<vmem>>, vector<16xf32>,
      %parallel_loop3A_192 = arith.mulf %parallel_loop3A_188, %parallel_loop3A_191 : vector<16xf32>
      %parallel_loop3A_193 = arith.addf %parallel_loop3A_187, %parallel_loop3A_192 : vector<16xf32>
      %parallel_loop3A_194 = arith.index_cast %parallel_loop3A_27 : i32 to index
      %parallel_loop3A_195 = arith.constant 192 : index
      %parallel_loop3A_196 = tpu.vector_load %arg13[%parallel_loop3A_194, %parallel_loop3A_195] {strides = array<i32>} : memref<40x512xf32, #tpu.memory_space<vmem>>, vector<16xf32>,
      tpu.vector_store %arg13[%parallel_loop3A_194, %parallel_loop3A_195], %parallel_loop3A_193 {strides = array<i32>} : memref<40x512xf32, #tpu.memory_space<vmem>>, vector<16xf32>,
      %parallel_loop3A_197 = arith.index_cast %parallel_loop3A_27 : i32 to index
      %parallel_loop3A_198 = arith.constant 208 : index
      %parallel_loop3A_199 = tpu.vector_load %arg9[%parallel_loop3A_197, %parallel_loop3A_198] {strides = array<i32>} : memref<40x512xi32, #tpu.memory_space<vmem>>, vector<16xi32>,
      %parallel_loop3A_200 = tpu.vector_load_idx %arg7[%parallel_loop3A_199] : memref<8xf32, #tpu.memory_space<vmem>>[vector<16xi32>], vector<16xf32>,
      %parallel_loop3A_201 = tpu.vector_load_idx %arg8[%parallel_loop3A_199] : memref<8xf32, #tpu.memory_space<vmem>>[vector<16xi32>], vector<16xf32>,
      %parallel_loop3A_202 = arith.index_cast %parallel_loop3A_27 : i32 to index
      %parallel_loop3A_203 = arith.constant 208 : index
      %parallel_loop3A_204 = tpu.vector_load %arg11[%parallel_loop3A_202, %parallel_loop3A_203] {strides = array<i32>} : memref<40x512xf32, #tpu.memory_space<vmem>>, vector<16xf32>,
      %parallel_loop3A_205 = arith.mulf %parallel_loop3A_201, %parallel_loop3A_204 : vector<16xf32>
      %parallel_loop3A_206 = arith.addf %parallel_loop3A_200, %parallel_loop3A_205 : vector<16xf32>
      %parallel_loop3A_207 = arith.index_cast %parallel_loop3A_27 : i32 to index
      %parallel_loop3A_208 = arith.constant 208 : index
      %parallel_loop3A_209 = tpu.vector_load %arg13[%parallel_loop3A_207, %parallel_loop3A_208] {strides = array<i32>} : memref<40x512xf32, #tpu.memory_space<vmem>>, vector<16xf32>,
      tpu.vector_store %arg13[%parallel_loop3A_207, %parallel_loop3A_208], %parallel_loop3A_206 {strides = array<i32>} : memref<40x512xf32, #tpu.memory_space<vmem>>, vector<16xf32>,
      %parallel_loop3A_210 = arith.index_cast %parallel_loop3A_27 : i32 to index
      %parallel_loop3A_211 = arith.constant 224 : index
      %parallel_loop3A_212 = tpu.vector_load %arg9[%parallel_loop3A_210, %parallel_loop3A_211] {strides = array<i32>} : memref<40x512xi32, #tpu.memory_space<vmem>>, vector<16xi32>,
      %parallel_loop3A_213 = tpu.vector_load_idx %arg7[%parallel_loop3A_212] : memref<8xf32, #tpu.memory_space<vmem>>[vector<16xi32>], vector<16xf32>,
      %parallel_loop3A_214 = tpu.vector_load_idx %arg8[%parallel_loop3A_212] : memref<8xf32, #tpu.memory_space<vmem>>[vector<16xi32>], vector<16xf32>,
      %parallel_loop3A_215 = arith.index_cast %parallel_loop3A_27 : i32 to index
      %parallel_loop3A_216 = arith.constant 224 : index
      %parallel_loop3A_217 = tpu.vector_load %arg11[%parallel_loop3A_215, %parallel_loop3A_216] {strides = array<i32>} : memref<40x512xf32, #tpu.memory_space<vmem>>, vector<16xf32>,
      %parallel_loop3A_218 = arith.mulf %parallel_loop3A_214, %parallel_loop3A_217 : vector<16xf32>
      %parallel_loop3A_219 = arith.addf %parallel_loop3A_213, %parallel_loop3A_218 : vector<16xf32>
      %parallel_loop3A_220 = arith.index_cast %parallel_loop3A_27 : i32 to index
      %parallel_loop3A_221 = arith.constant 224 : index
      %parallel_loop3A_222 = tpu.vector_load %arg13[%parallel_loop3A_220, %parallel_loop3A_221] {strides = array<i32>} : memref<40x512xf32, #tpu.memory_space<vmem>>, vector<16xf32>,
      tpu.vector_store %arg13[%parallel_loop3A_220, %parallel_loop3A_221], %parallel_loop3A_219 {strides = array<i32>} : memref<40x512xf32, #tpu.memory_space<vmem>>, vector<16xf32>,
      %parallel_loop3A_223 = arith.index_cast %parallel_loop3A_27 : i32 to index
      %parallel_loop3A_224 = arith.constant 240 : index
      %parallel_loop3A_225 = tpu.vector_load %arg9[%parallel_loop3A_223, %parallel_loop3A_224] {strides = array<i32>} : memref<40x512xi32, #tpu.memory_space<vmem>>, vector<16xi32>,
      %parallel_loop3A_226 = tpu.vector_load_idx %arg7[%parallel_loop3A_225] : memref<8xf32, #tpu.memory_space<vmem>>[vector<16xi32>], vector<16xf32>,
      %parallel_loop3A_227 = tpu.vector_load_idx %arg8[%parallel_loop3A_225] : memref<8xf32, #tpu.memory_space<vmem>>[vector<16xi32>], vector<16xf32>,
      %parallel_loop3A_228 = arith.index_cast %parallel_loop3A_27 : i32 to index
      %parallel_loop3A_229 = arith.constant 240 : index
      %parallel_loop3A_230 = tpu.vector_load %arg11[%parallel_loop3A_228, %parallel_loop3A_229] {strides = array<i32>} : memref<40x512xf32, #tpu.memory_space<vmem>>, vector<16xf32>,
      %parallel_loop3A_231 = arith.mulf %parallel_loop3A_227, %parallel_loop3A_230 : vector<16xf32>
      %parallel_loop3A_232 = arith.addf %parallel_loop3A_226, %parallel_loop3A_231 : vector<16xf32>
      %parallel_loop3A_233 = arith.index_cast %parallel_loop3A_27 : i32 to index
      %parallel_loop3A_234 = arith.constant 240 : index
      %parallel_loop3A_235 = tpu.vector_load %arg13[%parallel_loop3A_233, %parallel_loop3A_234] {strides = array<i32>} : memref<40x512xf32, #tpu.memory_space<vmem>>, vector<16xf32>,
      tpu.vector_store %arg13[%parallel_loop3A_233, %parallel_loop3A_234], %parallel_loop3A_232 {strides = array<i32>} : memref<40x512xf32, #tpu.memory_space<vmem>>, vector<16xf32>,
      %parallel_loop3A_236 = arith.index_cast %parallel_loop3A_27 : i32 to index
      %parallel_loop3A_237 = arith.constant 256 : index
      %parallel_loop3A_238 = tpu.vector_load %arg9[%parallel_loop3A_236, %parallel_loop3A_237] {strides = array<i32>} : memref<40x512xi32, #tpu.memory_space<vmem>>, vector<16xi32>,
      %parallel_loop3A_239 = tpu.vector_load_idx %arg7[%parallel_loop3A_238] : memref<8xf32, #tpu.memory_space<vmem>>[vector<16xi32>], vector<16xf32>,
      %parallel_loop3A_240 = tpu.vector_load_idx %arg8[%parallel_loop3A_238] : memref<8xf32, #tpu.memory_space<vmem>>[vector<16xi32>], vector<16xf32>,
      %parallel_loop3A_241 = arith.index_cast %parallel_loop3A_27 : i32 to index
      %parallel_loop3A_242 = arith.constant 256 : index
      %parallel_loop3A_243 = tpu.vector_load %arg11[%parallel_loop3A_241, %parallel_loop3A_242] {strides = array<i32>} : memref<40x512xf32, #tpu.memory_space<vmem>>, vector<16xf32>,
      %parallel_loop3A_244 = arith.mulf %parallel_loop3A_240, %parallel_loop3A_243 : vector<16xf32>
      %parallel_loop3A_245 = arith.addf %parallel_loop3A_239, %parallel_loop3A_244 : vector<16xf32>
      %parallel_loop3A_246 = arith.index_cast %parallel_loop3A_27 : i32 to index
      %parallel_loop3A_247 = arith.constant 256 : index
      %parallel_loop3A_248 = tpu.vector_load %arg13[%parallel_loop3A_246, %parallel_loop3A_247] {strides = array<i32>} : memref<40x512xf32, #tpu.memory_space<vmem>>, vector<16xf32>,
      tpu.vector_store %arg13[%parallel_loop3A_246, %parallel_loop3A_247], %parallel_loop3A_245 {strides = array<i32>} : memref<40x512xf32, #tpu.memory_space<vmem>>, vector<16xf32>,
      %parallel_loop3A_249 = arith.index_cast %parallel_loop3A_27 : i32 to index
      %parallel_loop3A_250 = arith.constant 272 : index
      %parallel_loop3A_251 = tpu.vector_load %arg9[%parallel_loop3A_249, %parallel_loop3A_250] {strides = array<i32>} : memref<40x512xi32, #tpu.memory_space<vmem>>, vector<16xi32>,
      %parallel_loop3A_252 = tpu.vector_load_idx %arg7[%parallel_loop3A_251] : memref<8xf32, #tpu.memory_space<vmem>>[vector<16xi32>], vector<16xf32>,
      %parallel_loop3A_253 = tpu.vector_load_idx %arg8[%parallel_loop3A_251] : memref<8xf32, #tpu.memory_space<vmem>>[vector<16xi32>], vector<16xf32>,
      %parallel_loop3A_254 = arith.index_cast %parallel_loop3A_27 : i32 to index
      %parallel_loop3A_255 = arith.constant 272 : index
      %parallel_loop3A_256 = tpu.vector_load %arg11[%parallel_loop3A_254, %parallel_loop3A_255] {strides = array<i32>} : memref<40x512xf32, #tpu.memory_space<vmem>>, vector<16xf32>,
      %parallel_loop3A_257 = arith.mulf %parallel_loop3A_253, %parallel_loop3A_256 : vector<16xf32>
      %parallel_loop3A_258 = arith.addf %parallel_loop3A_252, %parallel_loop3A_257 : vector<16xf32>
      %parallel_loop3A_259 = arith.index_cast %parallel_loop3A_27 : i32 to index
      %parallel_loop3A_260 = arith.constant 272 : index
      %parallel_loop3A_261 = tpu.vector_load %arg13[%parallel_loop3A_259, %parallel_loop3A_260] {strides = array<i32>} : memref<40x512xf32, #tpu.memory_space<vmem>>, vector<16xf32>,
      tpu.vector_store %arg13[%parallel_loop3A_259, %parallel_loop3A_260], %parallel_loop3A_258 {strides = array<i32>} : memref<40x512xf32, #tpu.memory_space<vmem>>, vector<16xf32>,
      %parallel_loop3A_262 = arith.index_cast %parallel_loop3A_27 : i32 to index
      %parallel_loop3A_263 = arith.constant 288 : index
      %parallel_loop3A_264 = tpu.vector_load %arg9[%parallel_loop3A_262, %parallel_loop3A_263] {strides = array<i32>} : memref<40x512xi32, #tpu.memory_space<vmem>>, vector<16xi32>,
      %parallel_loop3A_265 = tpu.vector_load_idx %arg7[%parallel_loop3A_264] : memref<8xf32, #tpu.memory_space<vmem>>[vector<16xi32>], vector<16xf32>,
      %parallel_loop3A_266 = tpu.vector_load_idx %arg8[%parallel_loop3A_264] : memref<8xf32, #tpu.memory_space<vmem>>[vector<16xi32>], vector<16xf32>,
      %parallel_loop3A_267 = arith.index_cast %parallel_loop3A_27 : i32 to index
      %parallel_loop3A_268 = arith.constant 288 : index
      %parallel_loop3A_269 = tpu.vector_load %arg11[%parallel_loop3A_267, %parallel_loop3A_268] {strides = array<i32>} : memref<40x512xf32, #tpu.memory_space<vmem>>, vector<16xf32>,
      %parallel_loop3A_270 = arith.mulf %parallel_loop3A_266, %parallel_loop3A_269 : vector<16xf32>
      %parallel_loop3A_271 = arith.addf %parallel_loop3A_265, %parallel_loop3A_270 : vector<16xf32>
      %parallel_loop3A_272 = arith.index_cast %parallel_loop3A_27 : i32 to index
      %parallel_loop3A_273 = arith.constant 288 : index
      %parallel_loop3A_274 = tpu.vector_load %arg13[%parallel_loop3A_272, %parallel_loop3A_273] {strides = array<i32>} : memref<40x512xf32, #tpu.memory_space<vmem>>, vector<16xf32>,
      tpu.vector_store %arg13[%parallel_loop3A_272, %parallel_loop3A_273], %parallel_loop3A_271 {strides = array<i32>} : memref<40x512xf32, #tpu.memory_space<vmem>>, vector<16xf32>,
      %parallel_loop3A_275 = arith.index_cast %parallel_loop3A_27 : i32 to index
      %parallel_loop3A_276 = arith.constant 304 : index
      %parallel_loop3A_277 = tpu.vector_load %arg9[%parallel_loop3A_275, %parallel_loop3A_276] {strides = array<i32>} : memref<40x512xi32, #tpu.memory_space<vmem>>, vector<16xi32>,
      %parallel_loop3A_278 = tpu.vector_load_idx %arg7[%parallel_loop3A_277] : memref<8xf32, #tpu.memory_space<vmem>>[vector<16xi32>], vector<16xf32>,
      %parallel_loop3A_279 = tpu.vector_load_idx %arg8[%parallel_loop3A_277] : memref<8xf32, #tpu.memory_space<vmem>>[vector<16xi32>], vector<16xf32>,
      %parallel_loop3A_280 = arith.index_cast %parallel_loop3A_27 : i32 to index
      %parallel_loop3A_281 = arith.constant 304 : index
      %parallel_loop3A_282 = tpu.vector_load %arg11[%parallel_loop3A_280, %parallel_loop3A_281] {strides = array<i32>} : memref<40x512xf32, #tpu.memory_space<vmem>>, vector<16xf32>,
      %parallel_loop3A_283 = arith.mulf %parallel_loop3A_279, %parallel_loop3A_282 : vector<16xf32>
      %parallel_loop3A_284 = arith.addf %parallel_loop3A_278, %parallel_loop3A_283 : vector<16xf32>
      %parallel_loop3A_285 = arith.index_cast %parallel_loop3A_27 : i32 to index
      %parallel_loop3A_286 = arith.constant 304 : index
      %parallel_loop3A_287 = tpu.vector_load %arg13[%parallel_loop3A_285, %parallel_loop3A_286] {strides = array<i32>} : memref<40x512xf32, #tpu.memory_space<vmem>>, vector<16xf32>,
      tpu.vector_store %arg13[%parallel_loop3A_285, %parallel_loop3A_286], %parallel_loop3A_284 {strides = array<i32>} : memref<40x512xf32, #tpu.memory_space<vmem>>, vector<16xf32>,
      %parallel_loop3A_288 = arith.index_cast %parallel_loop3A_27 : i32 to index
      %parallel_loop3A_289 = arith.constant 320 : index
      %parallel_loop3A_290 = tpu.vector_load %arg9[%parallel_loop3A_288, %parallel_loop3A_289] {strides = array<i32>} : memref<40x512xi32, #tpu.memory_space<vmem>>, vector<16xi32>,
      %parallel_loop3A_291 = tpu.vector_load_idx %arg7[%parallel_loop3A_290] : memref<8xf32, #tpu.memory_space<vmem>>[vector<16xi32>], vector<16xf32>,
      %parallel_loop3A_292 = tpu.vector_load_idx %arg8[%parallel_loop3A_290] : memref<8xf32, #tpu.memory_space<vmem>>[vector<16xi32>], vector<16xf32>,
      %parallel_loop3A_293 = arith.index_cast %parallel_loop3A_27 : i32 to index
      %parallel_loop3A_294 = arith.constant 320 : index
      %parallel_loop3A_295 = tpu.vector_load %arg11[%parallel_loop3A_293, %parallel_loop3A_294] {strides = array<i32>} : memref<40x512xf32, #tpu.memory_space<vmem>>, vector<16xf32>,
      %parallel_loop3A_296 = arith.mulf %parallel_loop3A_292, %parallel_loop3A_295 : vector<16xf32>
      %parallel_loop3A_297 = arith.addf %parallel_loop3A_291, %parallel_loop3A_296 : vector<16xf32>
      %parallel_loop3A_298 = arith.index_cast %parallel_loop3A_27 : i32 to index
      %parallel_loop3A_299 = arith.constant 320 : index
      %parallel_loop3A_300 = tpu.vector_load %arg13[%parallel_loop3A_298, %parallel_loop3A_299] {strides = array<i32>} : memref<40x512xf32, #tpu.memory_space<vmem>>, vector<16xf32>,
      tpu.vector_store %arg13[%parallel_loop3A_298, %parallel_loop3A_299], %parallel_loop3A_297 {strides = array<i32>} : memref<40x512xf32, #tpu.memory_space<vmem>>, vector<16xf32>,
      %parallel_loop3A_301 = arith.index_cast %parallel_loop3A_27 : i32 to index
      %parallel_loop3A_302 = arith.constant 336 : index
      %parallel_loop3A_303 = tpu.vector_load %arg9[%parallel_loop3A_301, %parallel_loop3A_302] {strides = array<i32>} : memref<40x512xi32, #tpu.memory_space<vmem>>, vector<16xi32>,
      %parallel_loop3A_304 = tpu.vector_load_idx %arg7[%parallel_loop3A_303] : memref<8xf32, #tpu.memory_space<vmem>>[vector<16xi32>], vector<16xf32>,
      %parallel_loop3A_305 = tpu.vector_load_idx %arg8[%parallel_loop3A_303] : memref<8xf32, #tpu.memory_space<vmem>>[vector<16xi32>], vector<16xf32>,
      %parallel_loop3A_306 = arith.index_cast %parallel_loop3A_27 : i32 to index
      %parallel_loop3A_307 = arith.constant 336 : index
      %parallel_loop3A_308 = tpu.vector_load %arg11[%parallel_loop3A_306, %parallel_loop3A_307] {strides = array<i32>} : memref<40x512xf32, #tpu.memory_space<vmem>>, vector<16xf32>,
      %parallel_loop3A_309 = arith.mulf %parallel_loop3A_305, %parallel_loop3A_308 : vector<16xf32>
      %parallel_loop3A_310 = arith.addf %parallel_loop3A_304, %parallel_loop3A_309 : vector<16xf32>
      %parallel_loop3A_311 = arith.index_cast %parallel_loop3A_27 : i32 to index
      %parallel_loop3A_312 = arith.constant 336 : index
      %parallel_loop3A_313 = tpu.vector_load %arg13[%parallel_loop3A_311, %parallel_loop3A_312] {strides = array<i32>} : memref<40x512xf32, #tpu.memory_space<vmem>>, vector<16xf32>,
      tpu.vector_store %arg13[%parallel_loop3A_311, %parallel_loop3A_312], %parallel_loop3A_310 {strides = array<i32>} : memref<40x512xf32, #tpu.memory_space<vmem>>, vector<16xf32>,
      %parallel_loop3A_314 = arith.index_cast %parallel_loop3A_27 : i32 to index
      %parallel_loop3A_315 = arith.constant 352 : index
      %parallel_loop3A_316 = tpu.vector_load %arg9[%parallel_loop3A_314, %parallel_loop3A_315] {strides = array<i32>} : memref<40x512xi32, #tpu.memory_space<vmem>>, vector<16xi32>,
      %parallel_loop3A_317 = tpu.vector_load_idx %arg7[%parallel_loop3A_316] : memref<8xf32, #tpu.memory_space<vmem>>[vector<16xi32>], vector<16xf32>,
      %parallel_loop3A_318 = tpu.vector_load_idx %arg8[%parallel_loop3A_316] : memref<8xf32, #tpu.memory_space<vmem>>[vector<16xi32>], vector<16xf32>,
      %parallel_loop3A_319 = arith.index_cast %parallel_loop3A_27 : i32 to index
      %parallel_loop3A_320 = arith.constant 352 : index
      %parallel_loop3A_321 = tpu.vector_load %arg11[%parallel_loop3A_319, %parallel_loop3A_320] {strides = array<i32>} : memref<40x512xf32, #tpu.memory_space<vmem>>, vector<16xf32>,
      %parallel_loop3A_322 = arith.mulf %parallel_loop3A_318, %parallel_loop3A_321 : vector<16xf32>
      %parallel_loop3A_323 = arith.addf %parallel_loop3A_317, %parallel_loop3A_322 : vector<16xf32>
      %parallel_loop3A_324 = arith.index_cast %parallel_loop3A_27 : i32 to index
      %parallel_loop3A_325 = arith.constant 352 : index
      %parallel_loop3A_326 = tpu.vector_load %arg13[%parallel_loop3A_324, %parallel_loop3A_325] {strides = array<i32>} : memref<40x512xf32, #tpu.memory_space<vmem>>, vector<16xf32>,
      tpu.vector_store %arg13[%parallel_loop3A_324, %parallel_loop3A_325], %parallel_loop3A_323 {strides = array<i32>} : memref<40x512xf32, #tpu.memory_space<vmem>>, vector<16xf32>,
      %parallel_loop3A_327 = arith.index_cast %parallel_loop3A_27 : i32 to index
      %parallel_loop3A_328 = arith.constant 368 : index
      %parallel_loop3A_329 = tpu.vector_load %arg9[%parallel_loop3A_327, %parallel_loop3A_328] {strides = array<i32>} : memref<40x512xi32, #tpu.memory_space<vmem>>, vector<16xi32>,
      %parallel_loop3A_330 = tpu.vector_load_idx %arg7[%parallel_loop3A_329] : memref<8xf32, #tpu.memory_space<vmem>>[vector<16xi32>], vector<16xf32>,
      %parallel_loop3A_331 = tpu.vector_load_idx %arg8[%parallel_loop3A_329] : memref<8xf32, #tpu.memory_space<vmem>>[vector<16xi32>], vector<16xf32>,
      %parallel_loop3A_332 = arith.index_cast %parallel_loop3A_27 : i32 to index
      %parallel_loop3A_333 = arith.constant 368 : index
      %parallel_loop3A_334 = tpu.vector_load %arg11[%parallel_loop3A_332, %parallel_loop3A_333] {strides = array<i32>} : memref<40x512xf32, #tpu.memory_space<vmem>>, vector<16xf32>,
      %parallel_loop3A_335 = arith.mulf %parallel_loop3A_331, %parallel_loop3A_334 : vector<16xf32>
      %parallel_loop3A_336 = arith.addf %parallel_loop3A_330, %parallel_loop3A_335 : vector<16xf32>
      %parallel_loop3A_337 = arith.index_cast %parallel_loop3A_27 : i32 to index
      %parallel_loop3A_338 = arith.constant 368 : index
      %parallel_loop3A_339 = tpu.vector_load %arg13[%parallel_loop3A_337, %parallel_loop3A_338] {strides = array<i32>} : memref<40x512xf32, #tpu.memory_space<vmem>>, vector<16xf32>,
      tpu.vector_store %arg13[%parallel_loop3A_337, %parallel_loop3A_338], %parallel_loop3A_336 {strides = array<i32>} : memref<40x512xf32, #tpu.memory_space<vmem>>, vector<16xf32>,
      %parallel_loop3A_340 = arith.index_cast %parallel_loop3A_27 : i32 to index
      %parallel_loop3A_341 = arith.constant 384 : index
      %parallel_loop3A_342 = tpu.vector_load %arg9[%parallel_loop3A_340, %parallel_loop3A_341] {strides = array<i32>} : memref<40x512xi32, #tpu.memory_space<vmem>>, vector<16xi32>,
      %parallel_loop3A_343 = tpu.vector_load_idx %arg7[%parallel_loop3A_342] : memref<8xf32, #tpu.memory_space<vmem>>[vector<16xi32>], vector<16xf32>,
      %parallel_loop3A_344 = tpu.vector_load_idx %arg8[%parallel_loop3A_342] : memref<8xf32, #tpu.memory_space<vmem>>[vector<16xi32>], vector<16xf32>,
      %parallel_loop3A_345 = arith.index_cast %parallel_loop3A_27 : i32 to index
      %parallel_loop3A_346 = arith.constant 384 : index
      %parallel_loop3A_347 = tpu.vector_load %arg11[%parallel_loop3A_345, %parallel_loop3A_346] {strides = array<i32>} : memref<40x512xf32, #tpu.memory_space<vmem>>, vector<16xf32>,
      %parallel_loop3A_348 = arith.mulf %parallel_loop3A_344, %parallel_loop3A_347 : vector<16xf32>
      %parallel_loop3A_349 = arith.addf %parallel_loop3A_343, %parallel_loop3A_348 : vector<16xf32>
      %parallel_loop3A_350 = arith.index_cast %parallel_loop3A_27 : i32 to index
      %parallel_loop3A_351 = arith.constant 384 : index
      %parallel_loop3A_352 = tpu.vector_load %arg13[%parallel_loop3A_350, %parallel_loop3A_351] {strides = array<i32>} : memref<40x512xf32, #tpu.memory_space<vmem>>, vector<16xf32>,
      tpu.vector_store %arg13[%parallel_loop3A_350, %parallel_loop3A_351], %parallel_loop3A_349 {strides = array<i32>} : memref<40x512xf32, #tpu.memory_space<vmem>>, vector<16xf32>,
      %parallel_loop3A_353 = arith.index_cast %parallel_loop3A_27 : i32 to index
      %parallel_loop3A_354 = arith.constant 400 : index
      %parallel_loop3A_355 = tpu.vector_load %arg9[%parallel_loop3A_353, %parallel_loop3A_354] {strides = array<i32>} : memref<40x512xi32, #tpu.memory_space<vmem>>, vector<16xi32>,
      %parallel_loop3A_356 = tpu.vector_load_idx %arg7[%parallel_loop3A_355] : memref<8xf32, #tpu.memory_space<vmem>>[vector<16xi32>], vector<16xf32>,
      %parallel_loop3A_357 = tpu.vector_load_idx %arg8[%parallel_loop3A_355] : memref<8xf32, #tpu.memory_space<vmem>>[vector<16xi32>], vector<16xf32>,
      %parallel_loop3A_358 = arith.index_cast %parallel_loop3A_27 : i32 to index
      %parallel_loop3A_359 = arith.constant 400 : index
      %parallel_loop3A_360 = tpu.vector_load %arg11[%parallel_loop3A_358, %parallel_loop3A_359] {strides = array<i32>} : memref<40x512xf32, #tpu.memory_space<vmem>>, vector<16xf32>,
      %parallel_loop3A_361 = arith.mulf %parallel_loop3A_357, %parallel_loop3A_360 : vector<16xf32>
      %parallel_loop3A_362 = arith.addf %parallel_loop3A_356, %parallel_loop3A_361 : vector<16xf32>
      %parallel_loop3A_363 = arith.index_cast %parallel_loop3A_27 : i32 to index
      %parallel_loop3A_364 = arith.constant 400 : index
      %parallel_loop3A_365 = tpu.vector_load %arg13[%parallel_loop3A_363, %parallel_loop3A_364] {strides = array<i32>} : memref<40x512xf32, #tpu.memory_space<vmem>>, vector<16xf32>,
      tpu.vector_store %arg13[%parallel_loop3A_363, %parallel_loop3A_364], %parallel_loop3A_362 {strides = array<i32>} : memref<40x512xf32, #tpu.memory_space<vmem>>, vector<16xf32>,
      %parallel_loop3A_366 = arith.index_cast %parallel_loop3A_27 : i32 to index
      %parallel_loop3A_367 = arith.constant 416 : index
      %parallel_loop3A_368 = tpu.vector_load %arg9[%parallel_loop3A_366, %parallel_loop3A_367] {strides = array<i32>} : memref<40x512xi32, #tpu.memory_space<vmem>>, vector<16xi32>,
      %parallel_loop3A_369 = tpu.vector_load_idx %arg7[%parallel_loop3A_368] : memref<8xf32, #tpu.memory_space<vmem>>[vector<16xi32>], vector<16xf32>,
      %parallel_loop3A_370 = tpu.vector_load_idx %arg8[%parallel_loop3A_368] : memref<8xf32, #tpu.memory_space<vmem>>[vector<16xi32>], vector<16xf32>,
      %parallel_loop3A_371 = arith.index_cast %parallel_loop3A_27 : i32 to index
      %parallel_loop3A_372 = arith.constant 416 : index
      %parallel_loop3A_373 = tpu.vector_load %arg11[%parallel_loop3A_371, %parallel_loop3A_372] {strides = array<i32>} : memref<40x512xf32, #tpu.memory_space<vmem>>, vector<16xf32>,
      %parallel_loop3A_374 = arith.mulf %parallel_loop3A_370, %parallel_loop3A_373 : vector<16xf32>
      %parallel_loop3A_375 = arith.addf %parallel_loop3A_369, %parallel_loop3A_374 : vector<16xf32>
      %parallel_loop3A_376 = arith.index_cast %parallel_loop3A_27 : i32 to index
      %parallel_loop3A_377 = arith.constant 416 : index
      %parallel_loop3A_378 = tpu.vector_load %arg13[%parallel_loop3A_376, %parallel_loop3A_377] {strides = array<i32>} : memref<40x512xf32, #tpu.memory_space<vmem>>, vector<16xf32>,
      tpu.vector_store %arg13[%parallel_loop3A_376, %parallel_loop3A_377], %parallel_loop3A_375 {strides = array<i32>} : memref<40x512xf32, #tpu.memory_space<vmem>>, vector<16xf32>,
      %parallel_loop3A_379 = arith.index_cast %parallel_loop3A_27 : i32 to index
      %parallel_loop3A_380 = arith.constant 432 : index
      %parallel_loop3A_381 = tpu.vector_load %arg9[%parallel_loop3A_379, %parallel_loop3A_380] {strides = array<i32>} : memref<40x512xi32, #tpu.memory_space<vmem>>, vector<16xi32>,
      %parallel_loop3A_382 = tpu.vector_load_idx %arg7[%parallel_loop3A_381] : memref<8xf32, #tpu.memory_space<vmem>>[vector<16xi32>], vector<16xf32>,
      %parallel_loop3A_383 = tpu.vector_load_idx %arg8[%parallel_loop3A_381] : memref<8xf32, #tpu.memory_space<vmem>>[vector<16xi32>], vector<16xf32>,
      %parallel_loop3A_384 = arith.index_cast %parallel_loop3A_27 : i32 to index
      %parallel_loop3A_385 = arith.constant 432 : index
      %parallel_loop3A_386 = tpu.vector_load %arg11[%parallel_loop3A_384, %parallel_loop3A_385] {strides = array<i32>} : memref<40x512xf32, #tpu.memory_space<vmem>>, vector<16xf32>,
      %parallel_loop3A_387 = arith.mulf %parallel_loop3A_383, %parallel_loop3A_386 : vector<16xf32>
      %parallel_loop3A_388 = arith.addf %parallel_loop3A_382, %parallel_loop3A_387 : vector<16xf32>
      %parallel_loop3A_389 = arith.index_cast %parallel_loop3A_27 : i32 to index
      %parallel_loop3A_390 = arith.constant 432 : index
      %parallel_loop3A_391 = tpu.vector_load %arg13[%parallel_loop3A_389, %parallel_loop3A_390] {strides = array<i32>} : memref<40x512xf32, #tpu.memory_space<vmem>>, vector<16xf32>,
      tpu.vector_store %arg13[%parallel_loop3A_389, %parallel_loop3A_390], %parallel_loop3A_388 {strides = array<i32>} : memref<40x512xf32, #tpu.memory_space<vmem>>, vector<16xf32>,
      %parallel_loop3A_392 = arith.index_cast %parallel_loop3A_27 : i32 to index
      %parallel_loop3A_393 = arith.constant 448 : index
      %parallel_loop3A_394 = tpu.vector_load %arg9[%parallel_loop3A_392, %parallel_loop3A_393] {strides = array<i32>} : memref<40x512xi32, #tpu.memory_space<vmem>>, vector<16xi32>,
      %parallel_loop3A_395 = tpu.vector_load_idx %arg7[%parallel_loop3A_394] : memref<8xf32, #tpu.memory_space<vmem>>[vector<16xi32>], vector<16xf32>,
      %parallel_loop3A_396 = tpu.vector_load_idx %arg8[%parallel_loop3A_394] : memref<8xf32, #tpu.memory_space<vmem>>[vector<16xi32>], vector<16xf32>,
      %parallel_loop3A_397 = arith.index_cast %parallel_loop3A_27 : i32 to index
      %parallel_loop3A_398 = arith.constant 448 : index
      %parallel_loop3A_399 = tpu.vector_load %arg11[%parallel_loop3A_397, %parallel_loop3A_398] {strides = array<i32>} : memref<40x512xf32, #tpu.memory_space<vmem>>, vector<16xf32>,
      %parallel_loop3A_400 = arith.mulf %parallel_loop3A_396, %parallel_loop3A_399 : vector<16xf32>
      %parallel_loop3A_401 = arith.addf %parallel_loop3A_395, %parallel_loop3A_400 : vector<16xf32>
      %parallel_loop3A_402 = arith.index_cast %parallel_loop3A_27 : i32 to index
      %parallel_loop3A_403 = arith.constant 448 : index
      %parallel_loop3A_404 = tpu.vector_load %arg13[%parallel_loop3A_402, %parallel_loop3A_403] {strides = array<i32>} : memref<40x512xf32, #tpu.memory_space<vmem>>, vector<16xf32>,
      tpu.vector_store %arg13[%parallel_loop3A_402, %parallel_loop3A_403], %parallel_loop3A_401 {strides = array<i32>} : memref<40x512xf32, #tpu.memory_space<vmem>>, vector<16xf32>,
      %parallel_loop3A_405 = arith.index_cast %parallel_loop3A_27 : i32 to index
      %parallel_loop3A_406 = arith.constant 464 : index
      %parallel_loop3A_407 = tpu.vector_load %arg9[%parallel_loop3A_405, %parallel_loop3A_406] {strides = array<i32>} : memref<40x512xi32, #tpu.memory_space<vmem>>, vector<16xi32>,
      %parallel_loop3A_408 = tpu.vector_load_idx %arg7[%parallel_loop3A_407] : memref<8xf32, #tpu.memory_space<vmem>>[vector<16xi32>], vector<16xf32>,
      %parallel_loop3A_409 = tpu.vector_load_idx %arg8[%parallel_loop3A_407] : memref<8xf32, #tpu.memory_space<vmem>>[vector<16xi32>], vector<16xf32>,
      %parallel_loop3A_410 = arith.index_cast %parallel_loop3A_27 : i32 to index
      %parallel_loop3A_411 = arith.constant 464 : index
      %parallel_loop3A_412 = tpu.vector_load %arg11[%parallel_loop3A_410, %parallel_loop3A_411] {strides = array<i32>} : memref<40x512xf32, #tpu.memory_space<vmem>>, vector<16xf32>,
      %parallel_loop3A_413 = arith.mulf %parallel_loop3A_409, %parallel_loop3A_412 : vector<16xf32>
      %parallel_loop3A_414 = arith.addf %parallel_loop3A_408, %parallel_loop3A_413 : vector<16xf32>
      %parallel_loop3A_415 = arith.index_cast %parallel_loop3A_27 : i32 to index
      %parallel_loop3A_416 = arith.constant 464 : index
      %parallel_loop3A_417 = tpu.vector_load %arg13[%parallel_loop3A_415, %parallel_loop3A_416] {strides = array<i32>} : memref<40x512xf32, #tpu.memory_space<vmem>>, vector<16xf32>,
      tpu.vector_store %arg13[%parallel_loop3A_415, %parallel_loop3A_416], %parallel_loop3A_414 {strides = array<i32>} : memref<40x512xf32, #tpu.memory_space<vmem>>, vector<16xf32>,
      %parallel_loop3A_418 = arith.index_cast %parallel_loop3A_27 : i32 to index
      %parallel_loop3A_419 = arith.constant 480 : index
      %parallel_loop3A_420 = tpu.vector_load %arg9[%parallel_loop3A_418, %parallel_loop3A_419] {strides = array<i32>} : memref<40x512xi32, #tpu.memory_space<vmem>>, vector<16xi32>,
      %parallel_loop3A_421 = tpu.vector_load_idx %arg7[%parallel_loop3A_420] : memref<8xf32, #tpu.memory_space<vmem>>[vector<16xi32>], vector<16xf32>,
      %parallel_loop3A_422 = tpu.vector_load_idx %arg8[%parallel_loop3A_420] : memref<8xf32, #tpu.memory_space<vmem>>[vector<16xi32>], vector<16xf32>,
      %parallel_loop3A_423 = arith.index_cast %parallel_loop3A_27 : i32 to index
      %parallel_loop3A_424 = arith.constant 480 : index
      %parallel_loop3A_425 = tpu.vector_load %arg11[%parallel_loop3A_423, %parallel_loop3A_424] {strides = array<i32>} : memref<40x512xf32, #tpu.memory_space<vmem>>, vector<16xf32>,
      %parallel_loop3A_426 = arith.mulf %parallel_loop3A_422, %parallel_loop3A_425 : vector<16xf32>
      %parallel_loop3A_427 = arith.addf %parallel_loop3A_421, %parallel_loop3A_426 : vector<16xf32>
      %parallel_loop3A_428 = arith.index_cast %parallel_loop3A_27 : i32 to index
      %parallel_loop3A_429 = arith.constant 480 : index
      %parallel_loop3A_430 = tpu.vector_load %arg13[%parallel_loop3A_428, %parallel_loop3A_429] {strides = array<i32>} : memref<40x512xf32, #tpu.memory_space<vmem>>, vector<16xf32>,
      tpu.vector_store %arg13[%parallel_loop3A_428, %parallel_loop3A_429], %parallel_loop3A_427 {strides = array<i32>} : memref<40x512xf32, #tpu.memory_space<vmem>>, vector<16xf32>,
      %parallel_loop3A_431 = arith.index_cast %parallel_loop3A_27 : i32 to index
      %parallel_loop3A_432 = arith.constant 496 : index
      %parallel_loop3A_433 = tpu.vector_load %arg9[%parallel_loop3A_431, %parallel_loop3A_432] {strides = array<i32>} : memref<40x512xi32, #tpu.memory_space<vmem>>, vector<16xi32>,
      %parallel_loop3A_434 = tpu.vector_load_idx %arg7[%parallel_loop3A_433] : memref<8xf32, #tpu.memory_space<vmem>>[vector<16xi32>], vector<16xf32>,
      %parallel_loop3A_435 = tpu.vector_load_idx %arg8[%parallel_loop3A_433] : memref<8xf32, #tpu.memory_space<vmem>>[vector<16xi32>], vector<16xf32>,
      %parallel_loop3A_436 = arith.index_cast %parallel_loop3A_27 : i32 to index
      %parallel_loop3A_437 = arith.constant 496 : index
      %parallel_loop3A_438 = tpu.vector_load %arg11[%parallel_loop3A_436, %parallel_loop3A_437] {strides = array<i32>} : memref<40x512xf32, #tpu.memory_space<vmem>>, vector<16xf32>,
      %parallel_loop3A_439 = arith.mulf %parallel_loop3A_435, %parallel_loop3A_438 : vector<16xf32>
      %parallel_loop3A_440 = arith.addf %parallel_loop3A_434, %parallel_loop3A_439 : vector<16xf32>
      %parallel_loop3A_441 = arith.index_cast %parallel_loop3A_27 : i32 to index
      %parallel_loop3A_442 = arith.constant 496 : index
      %parallel_loop3A_443 = tpu.vector_load %arg13[%parallel_loop3A_441, %parallel_loop3A_442] {strides = array<i32>} : memref<40x512xf32, #tpu.memory_space<vmem>>, vector<16xf32>,
      tpu.vector_store %arg13[%parallel_loop3A_441, %parallel_loop3A_442], %parallel_loop3A_440 {strides = array<i32>} : memref<40x512xf32, #tpu.memory_space<vmem>>, vector<16xf32>,
    } {sc.loop_unroll_factor = 1 : i64, sc.parallel_access}
    %dma_start3A_19 = arith.constant 0 : i32
    %dma_start3A_20 = tpu.memref_slice %arg6[%dma_start3A_19, %mul3A_2] : memref<40x16384xf32, #tpu.memory_space<hbm>> -> memref<40x512xf32, #tpu.memory_space<hbm>>
    %dma_start3A_21 = arith.constant 0 : i32
    %dma_start3A_22 = tpu.memref_slice %arg6[%dma_start3A_21, %mul3A_2] : memref<40x16384xf32, #tpu.memory_space<hbm>> -> memref<40x512xf32, #tpu.memory_space<hbm>>
    tpu.enqueue_dma source(%arg13 : memref<40x512xf32, #tpu.memory_space<vmem>>) target(%dma_start3A_22 : memref<40x512xf32, #tpu.memory_space<hbm>>) target_semaphore(%arg17 : memref<!tpu.dma_semaphore, #tpu.memory_space<semaphore_mem>>)
    %dma_wait3A_23 = arith.constant 0 : i32
    %dma_wait3A_24 = tpu.memref_slice %arg6[%dma_wait3A_23, %mul3A_2] : memref<40x16384xf32, #tpu.memory_space<hbm>> -> memref<40x512xf32, #tpu.memory_space<hbm>>
    %dma_wait3A_25 = arith.constant 0 : i32
    %dma_wait3A_26 = tpu.memref_slice %arg6[%dma_wait3A_25, %mul3A_2] : memref<40x16384xf32, #tpu.memory_space<hbm>> -> memref<40x512xf32, #tpu.memory_space<hbm>>
    tpu.wait_dma2 semaphore(%arg17 : memref<!tpu.dma_semaphore, #tpu.memory_space<semaphore_mem>>) src(%arg13 : memref<40x512xf32, #tpu.memory_space<vmem>>) dst(%dma_wait3A_26 : memref<40x512xf32, #tpu.memory_space<hbm>>)
    return
  }
}

module attributes {stable_mosaic.version = 14 : i64} {
  func.func @body(%arg0: i32, %arg1: i32, %arg2: memref<8xf32, #tpu.memory_space<smem>>, %arg3: memref<8xf32, #tpu.memory_space<smem>>, %arg4: memref<40x2048xi32, #tpu.memory_space<vmem>>, %arg5: memref<40x2048xf32, #tpu.memory_space<vmem>>, %arg6: memref<40x2048xf32, #tpu.memory_space<vmem>>) attributes {dimension_semantics = [#tpu.dimension_semantics<arbitrary>, #tpu.dimension_semantics<arbitrary>], iteration_bounds = array<i64: 4, 8>, scalar_prefetch = 0 : i64, scratch_operands = 0 : i64, tpu.core_type = #tpu.core_type<tc>, window_params = [{transform_indices = @transform_0, window_bounds = array<i64: 8>}, {transform_indices = @transform_1, window_bounds = array<i64: 8>}, {transform_indices = @transform_2, window_bounds = array<i64: 40, 2048>}, {transform_indices = @transform_3, window_bounds = array<i64: 40, 2048>}, {transform_indices = @transform_4, window_bounds = array<i64: 40, 2048>}]} {
    %get3A = arith.constant 0 : index
    %get3A_0 = arith.constant 0 : index
    %get3A_1 = vector.load %arg4[%get3A, %get3A_0] : memref<40x2048xi32, #tpu.memory_space<vmem>>, vector<40x2048xi32>
    %get3A_2 = arith.constant 0 : index
    %get3A_3 = arith.constant 0 : index
    %get3A_4 = vector.load %arg5[%get3A_2, %get3A_3] : memref<40x2048xf32, #tpu.memory_space<vmem>>, vector<40x2048xf32>
    %broadcast_in_dim3A = arith.constant 0.000000e+00 : f32
    %broadcast_in_dim3A_5 = vector.broadcast %broadcast_in_dim3A : f32 to vector<40x2048xf32>
    %eq3A = arith.constant 0 : i32
    %eq3A_6 = vector.broadcast %eq3A : i32 to vector<40x2048xi32>
    %eq3A_7 = arith.cmpi eq, %get3A_1, %eq3A_6 : vector<40x2048xi32>
    %get3A_8 = arith.constant 0 : index
    %get3A_9 = memref.load %arg2[%get3A_8] : memref<8xf32, #tpu.memory_space<smem>>
    %get3A_10 = arith.constant 0 : index
    %get3A_11 = memref.load %arg3[%get3A_10] : memref<8xf32, #tpu.memory_space<smem>>
    %mul3A = vector.broadcast %get3A_11 : f32 to vector<40x2048xf32>
    %mul3A_12 = arith.mulf %mul3A, %get3A_4 : vector<40x2048xf32>
    %add3A = vector.broadcast %get3A_9 : f32 to vector<40x2048xf32>
    %add3A_13 = arith.addf %add3A, %mul3A_12 : vector<40x2048xf32>
    %select_n3A = arith.select %eq3A_7, %add3A_13, %broadcast_in_dim3A_5 : vector<40x2048xi1>, vector<40x2048xf32>
    %eq3A_14 = arith.constant 1 : i32
    %eq3A_15 = vector.broadcast %eq3A_14 : i32 to vector<40x2048xi32>
    %eq3A_16 = arith.cmpi eq, %get3A_1, %eq3A_15 : vector<40x2048xi32>
    %get3A_17 = arith.constant 1 : index
    %get3A_18 = memref.load %arg2[%get3A_17] : memref<8xf32, #tpu.memory_space<smem>>
    %get3A_19 = arith.constant 1 : index
    %get3A_20 = memref.load %arg3[%get3A_19] : memref<8xf32, #tpu.memory_space<smem>>
    %mul3A_21 = vector.broadcast %get3A_20 : f32 to vector<40x2048xf32>
    %mul3A_22 = arith.mulf %mul3A_21, %get3A_4 : vector<40x2048xf32>
    %add3A_23 = vector.broadcast %get3A_18 : f32 to vector<40x2048xf32>
    %add3A_24 = arith.addf %add3A_23, %mul3A_22 : vector<40x2048xf32>
    %select_n3A_25 = arith.select %eq3A_16, %add3A_24, %select_n3A : vector<40x2048xi1>, vector<40x2048xf32>
    %eq3A_26 = arith.constant 2 : i32
    %eq3A_27 = vector.broadcast %eq3A_26 : i32 to vector<40x2048xi32>
    %eq3A_28 = arith.cmpi eq, %get3A_1, %eq3A_27 : vector<40x2048xi32>
    %get3A_29 = arith.constant 2 : index
    %get3A_30 = memref.load %arg2[%get3A_29] : memref<8xf32, #tpu.memory_space<smem>>
    %get3A_31 = arith.constant 2 : index
    %get3A_32 = memref.load %arg3[%get3A_31] : memref<8xf32, #tpu.memory_space<smem>>
    %mul3A_33 = vector.broadcast %get3A_32 : f32 to vector<40x2048xf32>
    %mul3A_34 = arith.mulf %mul3A_33, %get3A_4 : vector<40x2048xf32>
    %add3A_35 = vector.broadcast %get3A_30 : f32 to vector<40x2048xf32>
    %add3A_36 = arith.addf %add3A_35, %mul3A_34 : vector<40x2048xf32>
    %select_n3A_37 = arith.select %eq3A_28, %add3A_36, %select_n3A_25 : vector<40x2048xi1>, vector<40x2048xf32>
    %eq3A_38 = arith.constant 3 : i32
    %eq3A_39 = vector.broadcast %eq3A_38 : i32 to vector<40x2048xi32>
    %eq3A_40 = arith.cmpi eq, %get3A_1, %eq3A_39 : vector<40x2048xi32>
    %get3A_41 = arith.constant 3 : index
    %get3A_42 = memref.load %arg2[%get3A_41] : memref<8xf32, #tpu.memory_space<smem>>
    %get3A_43 = arith.constant 3 : index
    %get3A_44 = memref.load %arg3[%get3A_43] : memref<8xf32, #tpu.memory_space<smem>>
    %mul3A_45 = vector.broadcast %get3A_44 : f32 to vector<40x2048xf32>
    %mul3A_46 = arith.mulf %mul3A_45, %get3A_4 : vector<40x2048xf32>
    %add3A_47 = vector.broadcast %get3A_42 : f32 to vector<40x2048xf32>
    %add3A_48 = arith.addf %add3A_47, %mul3A_46 : vector<40x2048xf32>
    %select_n3A_49 = arith.select %eq3A_40, %add3A_48, %select_n3A_37 : vector<40x2048xi1>, vector<40x2048xf32>
    %eq3A_50 = arith.constant 4 : i32
    %eq3A_51 = vector.broadcast %eq3A_50 : i32 to vector<40x2048xi32>
    %eq3A_52 = arith.cmpi eq, %get3A_1, %eq3A_51 : vector<40x2048xi32>
    %get3A_53 = arith.constant 4 : index
    %get3A_54 = memref.load %arg2[%get3A_53] : memref<8xf32, #tpu.memory_space<smem>>
    %get3A_55 = arith.constant 4 : index
    %get3A_56 = memref.load %arg3[%get3A_55] : memref<8xf32, #tpu.memory_space<smem>>
    %mul3A_57 = vector.broadcast %get3A_56 : f32 to vector<40x2048xf32>
    %mul3A_58 = arith.mulf %mul3A_57, %get3A_4 : vector<40x2048xf32>
    %add3A_59 = vector.broadcast %get3A_54 : f32 to vector<40x2048xf32>
    %add3A_60 = arith.addf %add3A_59, %mul3A_58 : vector<40x2048xf32>
    %select_n3A_61 = arith.select %eq3A_52, %add3A_60, %select_n3A_49 : vector<40x2048xi1>, vector<40x2048xf32>
    %eq3A_62 = arith.constant 5 : i32
    %eq3A_63 = vector.broadcast %eq3A_62 : i32 to vector<40x2048xi32>
    %eq3A_64 = arith.cmpi eq, %get3A_1, %eq3A_63 : vector<40x2048xi32>
    %get3A_65 = arith.constant 5 : index
    %get3A_66 = memref.load %arg2[%get3A_65] : memref<8xf32, #tpu.memory_space<smem>>
    %get3A_67 = arith.constant 5 : index
    %get3A_68 = memref.load %arg3[%get3A_67] : memref<8xf32, #tpu.memory_space<smem>>
    %mul3A_69 = vector.broadcast %get3A_68 : f32 to vector<40x2048xf32>
    %mul3A_70 = arith.mulf %mul3A_69, %get3A_4 : vector<40x2048xf32>
    %add3A_71 = vector.broadcast %get3A_66 : f32 to vector<40x2048xf32>
    %add3A_72 = arith.addf %add3A_71, %mul3A_70 : vector<40x2048xf32>
    %select_n3A_73 = arith.select %eq3A_64, %add3A_72, %select_n3A_61 : vector<40x2048xi1>, vector<40x2048xf32>
    %eq3A_74 = arith.constant 6 : i32
    %eq3A_75 = vector.broadcast %eq3A_74 : i32 to vector<40x2048xi32>
    %eq3A_76 = arith.cmpi eq, %get3A_1, %eq3A_75 : vector<40x2048xi32>
    %get3A_77 = arith.constant 6 : index
    %get3A_78 = memref.load %arg2[%get3A_77] : memref<8xf32, #tpu.memory_space<smem>>
    %get3A_79 = arith.constant 6 : index
    %get3A_80 = memref.load %arg3[%get3A_79] : memref<8xf32, #tpu.memory_space<smem>>
    %mul3A_81 = vector.broadcast %get3A_80 : f32 to vector<40x2048xf32>
    %mul3A_82 = arith.mulf %mul3A_81, %get3A_4 : vector<40x2048xf32>
    %add3A_83 = vector.broadcast %get3A_78 : f32 to vector<40x2048xf32>
    %add3A_84 = arith.addf %add3A_83, %mul3A_82 : vector<40x2048xf32>
    %select_n3A_85 = arith.select %eq3A_76, %add3A_84, %select_n3A_73 : vector<40x2048xi1>, vector<40x2048xf32>
    %eq3A_86 = arith.constant 7 : i32
    %eq3A_87 = vector.broadcast %eq3A_86 : i32 to vector<40x2048xi32>
    %eq3A_88 = arith.cmpi eq, %get3A_1, %eq3A_87 : vector<40x2048xi32>
    %get3A_89 = arith.constant 7 : index
    %get3A_90 = memref.load %arg2[%get3A_89] : memref<8xf32, #tpu.memory_space<smem>>
    %get3A_91 = arith.constant 7 : index
    %get3A_92 = memref.load %arg3[%get3A_91] : memref<8xf32, #tpu.memory_space<smem>>
    %mul3A_93 = vector.broadcast %get3A_92 : f32 to vector<40x2048xf32>
    %mul3A_94 = arith.mulf %mul3A_93, %get3A_4 : vector<40x2048xf32>
    %add3A_95 = vector.broadcast %get3A_90 : f32 to vector<40x2048xf32>
    %add3A_96 = arith.addf %add3A_95, %mul3A_94 : vector<40x2048xf32>
    %select_n3A_97 = arith.select %eq3A_88, %add3A_96, %select_n3A_85 : vector<40x2048xi1>, vector<40x2048xf32>
    %swap3A = arith.constant 0 : index
    %swap3A_98 = arith.constant 0 : index
    %swap3A_99 = vector.load %arg6[%swap3A, %swap3A_98] : memref<40x2048xf32, #tpu.memory_space<vmem>>, vector<40x2048xf32>
    tpu.vector_store %arg6[%swap3A, %swap3A_98], %select_n3A_97 {strides = array<i32>} : memref<40x2048xf32, #tpu.memory_space<vmem>>, vector<40x2048xf32>,
    return
  }
  func.func @transform_0(%arg0: i32, %arg1: i32) -> i32 {
    %c0_i32 = arith.constant 0 : i32
    %c0_i32_0 = arith.constant 0 : i32
    return %c0_i32 : i32
  }
  func.func @transform_1(%arg0: i32, %arg1: i32) -> i32 {
    %c0_i32 = arith.constant 0 : i32
    %c0_i32_0 = arith.constant 0 : i32
    return %c0_i32 : i32
  }
  func.func @transform_2(%arg0: i32, %arg1: i32) -> (i32, i32) {
    %add3A = arith.constant 1 : i32
    %add3A_0 = arith.addi %add3A, %arg0 : i32
    %c0_i32 = arith.constant 0 : i32
    return %add3A_0, %arg1 : i32, i32
  }
  func.func @transform_3(%arg0: i32, %arg1: i32) -> (i32, i32) {
    %add3A = arith.constant 1 : i32
    %add3A_0 = arith.addi %add3A, %arg0 : i32
    %c0_i32 = arith.constant 0 : i32
    return %add3A_0, %arg1 : i32, i32
  }
  func.func @transform_4(%arg0: i32, %arg1: i32) -> (i32, i32) {
    %add3A = arith.constant 1 : i32
    %add3A_0 = arith.addi %add3A, %arg0 : i32
    %c0_i32 = arith.constant 0 : i32
    return %add3A_0, %arg1 : i32, i32
  }
}

</mosaic_0001>

<sc_bundles>
// kernel: kernel.4.cloned.1.call-start
scs
__scs_entry_jumppad:
0x0: {  	(pc) =	sbr.rel $0x88, $3  }
0x1: {  	(tag) =	ssettag $0x0;
	lr =	simm.s32 $0x1  }
0x2: {  	[smem:$0x3F9D] =	sst lr;
	_ =	strace $0xD0000000  }
0x3: {  	_ = 	snop  }
0x4: {  	_ = 	snop  }
0x5: {  	_ = 	snop  }
0x6: {  	_ = 	snop  }
0x7: {  	_ = 	snop  }
__scs_overlays_trampoline_lowered:
0x8: {  	[smem:$0x3FAC] =	sst s0  }
0x9: {  	[smem:$0x3FAD] =	sst s1  }
0xa: {  	[smem:$0x3FAE] =	sst s2  }
0xb: {  	[smem:$0x3FAF] =	sst s3  }
0xc: {  	[smem:$0x3FB0] =	sst s4  }
0xd: {  	[smem:$0x3FB1] =	sst s5  }
0xe: {  	[smem:$0x3FB2] =	sst s6  }
0xf: {  	[smem:$0x3FB3] =	sst s7  }
0x10: {  	[smem:$0x3FB4] =	sst s8  }
0x11: {  	[smem:$0x3FB5] =	sst s9;
	s0 =	simm.s32 @!p0 $0x0  }
0x12: {  	s1 =	sld [smem:$0x3F9B];
	s0 =	simm.s32 @p0 $0x1  }
0x13: {  	[smem:$0x3FB6] =	sst s0;
	s0 =	simm.s32 @!p1 $0x0  }
0x14: {  	s2 =	sld [smem:$0x3F9A];
	s0 =	simm.s32 @p1 $0x1  }
0x15: {  	[smem:$0x3FB7] =	sst s0;
	s0 =	simm.s32 @!p2 $0x0  }
0x16: {  	s3 =	sld [smem:$0x3FDB];
	s0 =	simm.s32 @p2 $0x1  }
0x17: {  	s4 =	simm.s32 $0x1BF5;
	[smem:$0x3FB9] =	sst s0  }
0x18: {  	s0 =	sld [smem:$0x3F9C];
	_ =	swait.ge [sflag:s4], $0x0  }
0x19: {  	s7 =	sld [smem:$0x3F9D]  }
0x1a: {  	s8 =	sadd.s32 $0xFFFFE003, lr  }
0x1b: {  	s9 =	sadd.s32 $0xFFFFFEF7, lr;
	s5 =	simm.s32 $0xFFFFFFFF;
	p2 =	slt.u32 s8, $0xFFFFF086  }
0x1c: {  	p1 =	slt.u32 s9, $0xF7A;
	s5 =	simm.s32 @!p2 $0x0  }
0x1d: {  	s5 =	simm.s32 @p1 $0x1;
	p0 =	seq.s32 s7, s2  }
0x1e: {  	s7 =	smul.u32 @!p0 $0xF7A, s2;
	p2 =	seq.s32 @!p0 s5, $0x0  }
0x1f: {  	s9 =	smul.u32 $0xF7A, s1;
	s8 =	simm.s32 @!p0 $0x1BF5;
	p2 =	por !p2, p0  }
0x20: {  	[sflag:s8] =	ssyncset.s32 @!p0 $0xFFFFF086;
	s6 =	sadd.s32 @!p0 s3, s7;
	s7 =	simm.s32 @!p0 $0x108  }
0x21: {  	s3 =	sadd.s32 s3, s9;
	s6 =	sadd.s32 @!p0 $0x88, s6;
	s7 =	simm.s32 @p2 $0x1082  }
0x22: {  	[simem:s7], [sflag:s8] =	dma.local @!p0 [hbm:s6], $0xF7A  }
0x23: {  	s9 =	sor.u32 $0xD0000000, s2;
	s6 =	simm.s32 $0x108;
	_ =	swait.ge @!p0 [sflag:s8], $0x0  }
0x24: {  	s3 =	sadd.s32 $0x88, s3;
	s6 =	simm.s32 @!p1 $0x1082;
	[sflag:s4] =	ssyncset.s32 $0xFFFFF086  }
0x25: {  	[simem:s6], [sflag:s4] =	dma.local [hbm:s3], $0xF7A  }
0x26: {  	[smem:$0x3F9D] =	sst s1;
	(tag) =	ssettag s2;
	_ =	strace s9  }
0x27: {  	s1 =	sld [smem:$0x3FAD]  }
0x28: {  	s2 =	sld [smem:$0x3FAE]  }
0x29: {  	s4 =	sld [smem:$0x3FB0]  }
0x2a: {  	p0 =	seq.s32 s5, $0x0;
	s5 =	sld [smem:$0x3FB1]  }
0x2b: {  	s6 =	sld [smem:$0x3FB2]  }
0x2c: {  	s7 =	sld [smem:$0x3FB3]  }
0x2d: {  	s3 =	simm.s32 $0x108;
	s8 =	sld [smem:$0x3FB4]  }
0x2e: {  	s3 =	simm.s32 @!p0 $0x1082;
	s9 =	sld [smem:$0x3FB5]  }
0x2f: {  	lr =	sadd.s32 s0, s3;
	s0 =	sld [smem:$0x3FAC]  }
0x30: {  	s3 =	sld [smem:$0x3FAF]  }
0x31: {  	[smem:$0x3FB8] =	sst s10  }
0x32: {  	s10 =	sld [smem:$0x3FB6];
	_ =	sdelay $0x3  }
0x33: {  	p0 =	seq.s32 s10, $0x1;
	s10 =	sld [smem:$0x3FB8];
	_ =	sdelay $0x3  }
0x34: {  	[smem:$0x3FB8] =	sst s10  }
0x35: {  	s10 =	sld [smem:$0x3FB7];
	_ =	sdelay $0x3  }
0x36: {  	p1 =	seq.s32 s10, $0x1;
	s10 =	sld [smem:$0x3FB8];
	_ =	sdelay $0x3  }
0x37: {  	[smem:$0x3FB8] =	sst s10  }
0x38: {  	s10 =	sld [smem:$0x3FB9]  }
0x39: {  	_ = 	snop;
	(pc) =	sbr.ind lr, $3  }
0x3a: {  	_ = 	snop  }
0x3b: {  	_ = 	snop  }
0x3c: {  	p2 =	seq.s32 s10, $0x1;
	s10 =	sld [smem:$0x3FB8]  }
0x3d: {  	_ =	shalt  }
0x3e: {  	_ =	shalt  }
0x3f: {  	_ =	shalt  }
0x40: {  	_ =	shalt  }
0x41: {  	_ =	shalt  }
0x42: {  	_ =	shalt  }
0x43: {  	_ =	shalt  }
0x44: {  	_ =	shalt  }
0x45: {  	_ =	shalt  }
0x46: {  	_ =	shalt  }
0x47: {  	_ =	shalt  }
0x48: {  	_ =	shalt  }
0x49: {  	_ =	shalt  }
0x4a: {  	_ =	shalt  }
0x4b: {  	_ =	shalt  }
0x4c: {  	_ =	shalt  }
0x4d: {  	_ =	shalt  }
0x4e: {  	_ =	shalt  }
0x4f: {  	_ =	shalt  }
0x50: {  	_ =	shalt  }
0x51: {  	_ =	shalt  }
0x52: {  	_ =	shalt  }
0x53: {  	_ =	shalt  }
0x54: {  	_ =	shalt  }
0x55: {  	_ =	shalt  }
0x56: {  	_ =	shalt  }
0x57: {  	_ =	shalt  }
0x58: {  	_ =	shalt  }
0x59: {  	_ =	shalt  }
0x5a: {  	_ =	shalt  }
0x5b: {  	_ =	shalt  }
0x5c: {  	_ =	shalt  }
0x5d: {  	_ =	shalt  }
0x5e: {  	_ =	shalt  }
0x5f: {  	_ =	shalt  }
0x60: {  	_ =	shalt  }
0x61: {  	_ =	shalt  }
0x62: {  	_ =	shalt  }
0x63: {  	_ =	shalt  }
0x64: {  	_ =	shalt  }
0x65: {  	_ =	shalt  }
0x66: {  	_ =	shalt  }
0x67: {  	_ =	shalt  }
0x68: {  	_ =	shalt  }
0x69: {  	_ =	shalt  }
0x6a: {  	_ =	shalt  }
0x6b: {  	_ =	shalt  }
0x6c: {  	_ =	shalt  }
0x6d: {  	_ =	shalt  }
0x6e: {  	_ =	shalt  }
0x6f: {  	_ =	shalt  }
0x70: {  	_ =	shalt  }
0x71: {  	_ =	shalt  }
0x72: {  	_ =	shalt  }
0x73: {  	_ =	shalt  }
0x74: {  	_ =	shalt  }
0x75: {  	_ =	shalt  }
0x76: {  	_ =	shalt  }
0x77: {  	_ =	shalt  }
0x78: {  	_ =	shalt  }
0x79: {  	_ =	shalt  }
0x7a: {  	_ =	shalt  }
0x7b: {  	_ =	shalt  }
0x7c: {  	_ =	shalt  }
0x7d: {  	_ =	shalt  }
0x7e: {  	_ =	shalt  }
0x7f: {  	_ =	shalt  }
0x80: {  	_ =	shalt  }
0x81: {  	_ =	shalt  }
0x82: {  	_ =	shalt  }
0x83: {  	_ =	shalt  }
0x84: {  	_ =	shalt  }
0x85: {  	_ =	shalt  }
0x86: {  	_ =	shalt  }
0x87: {  	_ =	shalt  }
.Lfunc_end0:
.L_simem_size_0:
called_computation_lowered:
.L_overlay_start_0:
0x88: {  	s2 =	sld [smem:$0x3FD9]  }
0x89: {  	s3 =	sld [smem:$0x3FFE];
	_ =	sdelay $0x1  }
0x8a: {  	s1 =	srdreg.scid  }
0x8b: {  	s0 =	sand.u32 $0x1, s1  }
0x8c: {  	s17 =	sshll.u32 s0, $0xA;
	s2 =	sadd.s32 s3, s2  }
0x8d: {  	s2 =	sadd.s32 s2, s17  }
0x8e: {  	[smem:$0x3FC4] =	sst s2  }
0x8f: {  	_ = 	snop  }
0x90: {  	s2 =	sld [smem:$0x3FC9]  }
0x91: {  	s18 =	sld [smem:$0x3FC8]  }
0x92: {  	s4 =	sld [smem:$0x3FC7]  }
0x93: {  	s5 =	sld [smem:$0x3FC6];
	(tm) =	ssettm $0x1  }
0x94: {  	s6 =	sld [smem:$0x3FFB];
	_ =	sdelay $0x3  }
0x95: {  	_ =	strace s6  }
0x96: {  	s6 =	sld [smem:$0x3FFC];
	_ =	sdelay $0x3  }
0x97: {  	_ =	strace s6  }
0x98: {  	s6 =	sld [smem:$0x3FFD];
	_ =	sdelay $0x3  }
0x99: {  	_ =	strace s6  }
0x9a: {  	_ =	strace $0x8FFFFFFF  }
0x9b: {  	s19 =	sld [smem:$0x3FDB];
	_ =	sdelay $0x1  }
0x9c: {  	s7 =	simm.s32 $_scs_section_size  }
0x9d: {  	s8 =	simm.s32 $_size__tile_overlayer_lowered;
	s9 =	simm.s32 $_tile_overlayer_lowered  }
0x9e: {  	s22 =	simm.s32 $0x1BFF;
	s21 =	sshll.u32 s9, $0x1;
	s6 =	sadd.s32 s7, s19  }
0x9f: {  	s10 =	simm.s32 $0x0;
	s20 =	sshll.u32 s8, $0x1;
	s8 =	sadd.s32 s21, s6  }
0xa0: {  	[timem:s10], [sflag:s22] =	dma.local [hbm:s8], s20  }
0xa1: {  	_ =	swait.ge [sflag:s22], s20  }
0xa2: {  	s7 =	ssub.s32 $0x0, s20;
	[sflag:s22] =	ssyncset.done $0x0  }
0xa3: {  	[sflag:s22] =	ssyncadd.s32 s7;
	_ =	sdelay $0x1  }
0xa4: {  	s23 =	simm.s32 $0x1B8B  }
0xa5: {  	_ =	swait.ge [sflag:s23], $0x1  }
0xa6: {  	[sflag:s23] =	ssyncset.done $0x0  }
0xa7: {  	s25 =	simm.s32 $0x1B8E;
	s24 =	sld [smem:$0x3FFE];
	[sflag:s23] =	ssyncadd.s32 $0xFFFFFFFF  }
0xa8: {  	s26 =	simm.s32 $execute0_lowered;
	[smem:$0x3FD2] =	sst s25  }
0xa9: {  	s8 =	sshll.u32 s26, $0x1;
	_ =	strace $0x80000046;
	[dreg:$0x1] =	wrdreg $0xFFFFFFFF  }
0xaa: {  	s28 =	simm.s32 $_size_execute0_lowered;
	s6 =	sadd.s32 s6, s8;
	[dreg:$0x0] =	wrdreg $0x0  }
0xab: {  	s8 =	sshll.u32 s28, $0x1;
	[dreg:$0x2] =	wrdreg s6  }
0xac: {  	[dreg:$0x3] =	wrdreg s8  }
0xad: {  	[dreg:$0x4] =	wrdreg $0xC0  }
0xae: {  	_ =	task [dreg:s10], $0x5FFFF  }
0xaf: {  	[dreg:$0x1] =	wrdreg $0xFFFFFFFF  }
0xb0: {  	[dreg:$0x0] =	wrdreg $0x60  }
0xb1: {  	[dreg:$0x2] =	wrdreg s2  }
0xb2: {  	[dreg:$0x3] =	wrdreg s18  }
0xb3: {  	[dreg:$0x4] =	wrdreg s4  }
0xb4: {  	[dreg:$0x5] =	wrdreg s5  }
0xb5: {  	[dreg:$0x6] =	wrdreg s24  }
0xb6: {  	[dreg:$0x7] =	wrdreg $0x9  }
0xb7: {  	_ =	task.clear_ibuf [dreg:s10], $0x8FFFF;
	_ =	strace $0x90000046  }
0xb8: {  	s29 =	simm.s32 $0x9;
	_ =	strace $0x80000048  }
0xb9: {  	_ =	swait.ge [sflag:s29], $0x1  }
0xba: {  	[sflag:s29] =	ssyncadd.s32 $0xFFFFFFFF  }
0xbb: {  	_ =	strace $0x90000048  }
0xbc: {  	_ =	sfence  }
0xbd: {  	s30 =	sld [smem:$0x0];
	_ =	sdelay $0x2  }
0xbe: {  	s31 =	sshll.u32 s1, $0xD;
	s1 =	sshrl.u32 s1, $0x2  }
0xbf: {  	s3 =	sand.u32 $0x4000, s31;
	s1 =	sadd.s32 s1, s30  }
0xc0: {  	s0 =	sor.u32 s3, s0;
	s1 =	sshll.u32 s1, $0x11  }
0xc1: {  	s0 =	sor.u32 s1, s0  }
0xc2: {  	s0 =	sadd.s32 $0x8F2B, s0  }
0xc3: {  	[sflag:s0] =	ssyncadd.remote.s32 $0x1  }
0xc4: {  	_ =	sfence.sel $0xFFFF  }
0xc5: {  	[dreg:$0x0] =	wrdreg $0xFFFFFFFF;
	(pc) =	sbr.abs _section_cstart, $3  }
0xc6: {  	[dreg:$0x1] =	wrdreg $0xFFFFFFFF  }
0xc7: {  	_ =	task.clear_ibuf [dreg:s10], $0x2FFFF;
	_ =	strace $0x9FFFFFFF  }
0xc8: {  	(tm) =	ssettm $0x7FFFFFFF  }
0xc9: {  	_ =	shalt  }
tec
execute0_lowered:
.L_overlay_start_1:
0x0: {  	(tag) =	ssettag $0x1  }
0x1: {  	s5 =	rddreg [dreg:$0x0]  }
0x2: {  	s1 =	rddreg [dreg:$0x1]  }
0x3: {  	s2 =	rddreg [dreg:$0x2]  }
0x4: {  	s6 =	rddreg [dreg:$0x3]  }
0x5: {  	s7 =	rddreg [dreg:$0x4];
	s4 =	srdreg.scid  }
0x6: {  	s0 =	rddreg [dreg:$0x5];
	s3 =	stileid.u32;
	s11 =	simm.s32 $0x1000  }
0x7: {  	s12 =	simm.s32 $0x20000;
	s13 =	simm.s32 $0x100;
	s14 =	simm.s32 $0x5100  }
0x8: {  	s15 =	simm.s32 $0x1;
	s16 =	simm.s32 $0xA100;
	s17 =	simm.s32 $0x2  }
0x9: {  	s18 =	simm.s32 $0x0;
	s8 =	sand.u32 $0x1, s4;
	s4 =	simm.s32 $0x0  }
0xa: {  	s9 =	sshll.u32 s3, $0xA;
	s10 =	sshll.u32 s8, $0x9;
	[smem:$0x7FF] =	sst s4  }
0xb: {  	s8 =	ssub.s32 $0x2, s8;
	s9 =	sor.u32 s10, s9;
	_ =	strace $0x80000047  }
0xc: {  	s31 =	sshrl.u32 s8, $0x1;
	s10 =	simm.s32 $0x80;
	s7 =	sadd.s32 s9, s7  }
0xd: {  	s8 =	ssub.s32 s8, s31;
	s5 =	sadd.s32 s5, s9;
	s6 =	sadd.s32 s6, s9  }
0xe: {  	s9 =	simm.s32 $0x3;
	s7 =	sadd.s32 $0xA00, s7;
	s8 =	smax.u32 s8, $0x1  }
.LBB2_1:
0xf: {  	[tilespmem:s4], [sflag:$0x3] =	stream.linear.gather [hbm4b:s1+s4], $0x80, $0x38;
	[tilespmem:$0xF100] =	vst v63  }
0x10: {  	_ =	swait.ge [sflag:s9], $0x80  }
0x11: {  	[sflag:s9] =	ssyncset.done $0x0  }
0x12: {  	[sflag:s9] =	ssyncadd.s32 $0xFFFFFF80  }
0x13: {  	[tilespmem:s10], [sflag:$0x3] =	stream.linear.gather [hbm4b:s2+s4], $0x80, $0x38;
	[tilespmem:$0xF100] =	vst v63  }
0x14: {  	_ =	swait.ge [sflag:s9], $0x80  }
0x15: {  	[sflag:s9] =	ssyncset.done $0x0  }
0x16: {  	[sflag:s9] =	ssyncadd.s32 $0xFFFFFF80  }
0x17: {  	[tilespmem:s13], [sflag:$0x1] =	stream.strided.gather [hbm4b:s5+s11], $0x5000, s12, s11, $0x38;
	[tilespmem:$0xF100] =	vst v63  }
0x18: {  	_ = 	snop  }
0x19: {  	[tilespmem:s14], [sflag:$0x1] =	stream.strided.gather [hbm4b:s6+s11], $0x5000, s12, s11, $0x38;
	[tilespmem:$0xF100] =	vst v63  }
0x1a: {  	_ =	swait.ge [sflag:s15], $0x5000  }
0x1b: {  	[sflag:s15] =	ssyncset.done $0x0  }
0x1c: {  	[sflag:s15] =	ssyncadd.s32 $0xFFFFB000  }
0x1d: {  	_ =	swait.ge [sflag:s15], $0x5000  }
0x1e: {  	s19 =	sand.u32 $0x7000, s4;
	s20 =	sand.u32 $0x380, s4;
	[sflag:s15] =	ssyncset.done $0x0  }
0x1f: {  	s19 =	sor.u32 s20, s19;
	[sflag:s15] =	ssyncadd.s32 $0xFFFFB000  }
0x20: {  	v0 =	vld [tilespmem:s19+$0x100];
	_ =	sdelay $0x6  }
0x21: {  	v2 =	vld [tilespmem:s19+$0x5100]  }
0x22: {  	v1 =	vld.idx.msk [tilespmem:v0+s10+$0x0], $0xffff  }
0x23: {  	v3 =	vld [tilespmem:s19+$0x110]  }
0x24: {  	v0 =	vld.idx.msk [tilespmem:v0+s4+$0x0], $0xffff;
	_ =	sdelay $0x2  }
0x25: {  	v1 =	vmul.f32 v2, v1;
	_ =	sdelay $0x1  }
0x26: {  	v0 =	vadd.f32 v1, v0;
	_ =	sdelay $0x1  }
0x27: {  	v1 =	vld [tilespmem:s19+$0x5110];
	[tilespmem:s19+$0xA100] =	vst v0  }
0x28: {  	v0 =	vld.idx.msk [tilespmem:v3+s10+$0x0], $0xffff  }
0x29: {  	v2 =	vld.idx.msk [tilespmem:v3+s4+$0x0], $0xffff  }
0x2a: {  	v3 =	vld [tilespmem:s19+$0x120];
	_ =	sdelay $0x2  }
0x2b: {  	v0 =	vmul.f32 v1, v0;
	_ =	sdelay $0x1  }
0x2c: {  	v0 =	vadd.f32 v0, v2;
	_ =	sdelay $0x1  }
0x2d: {  	v1 =	vld [tilespmem:s19+$0x5120];
	[tilespmem:s19+$0xA110] =	vst v0  }
0x2e: {  	v0 =	vld.idx.msk [tilespmem:v3+s10+$0x0], $0xffff  }
0x2f: {  	v2 =	vld.idx.msk [tilespmem:v3+s4+$0x0], $0xffff  }
0x30: {  	v3 =	vld [tilespmem:s19+$0x130];
	_ =	sdelay $0x2  }
0x31: {  	v0 =	vmul.f32 v1, v0;
	_ =	sdelay $0x1  }
0x32: {  	v0 =	vadd.f32 v0, v2;
	_ =	sdelay $0x1  }
0x33: {  	v1 =	vld [tilespmem:s19+$0x5130];
	[tilespmem:s19+$0xA120] =	vst v0  }
0x34: {  	v0 =	vld.idx.msk [tilespmem:v3+s10+$0x0], $0xffff  }
0x35: {  	v2 =	vld.idx.msk [tilespmem:v3+s4+$0x0], $0xffff  }
0x36: {  	v3 =	vld [tilespmem:s19+$0x140];
	_ =	sdelay $0x2  }
0x37: {  	v0 =	vmul.f32 v1, v0;
	_ =	sdelay $0x1  }
0x38: {  	v0 =	vadd.f32 v0, v2;
	_ =	sdelay $0x1  }
0x39: {  	v1 =	vld [tilespmem:s19+$0x5140];
	[tilespmem:s19+$0xA130] =	vst v0  }
0x3a: {  	v0 =	vld.idx.msk [tilespmem:v3+s10+$0x0], $0xffff  }
0x3b: {  	v2 =	vld.idx.msk [tilespmem:v3+s4+$0x0], $0xffff  }
0x3c: {  	v3 =	vld [tilespmem:s19+$0x150];
	_ =	sdelay $0x2  }
0x3d: {  	v0 =	vmul.f32 v1, v0;
	_ =	sdelay $0x1  }
0x3e: {  	v0 =	vadd.f32 v0, v2;
	_ =	sdelay $0x1  }
0x3f: {  	v1 =	vld [tilespmem:s19+$0x5150];
	[tilespmem:s19+$0xA140] =	vst v0  }
0x40: {  	v0 =	vld.idx.msk [tilespmem:v3+s10+$0x0], $0xffff  }
0x41: {  	v2 =	vld.idx.msk [tilespmem:v3+s4+$0x0], $0xffff  }
0x42: {  	v3 =	vld [tilespmem:s19+$0x160];
	_ =	sdelay $0x2  }
0x43: {  	v0 =	vmul.f32 v1, v0;
	_ =	sdelay $0x1  }
0x44: {  	v0 =	vadd.f32 v0, v2;
	_ =	sdelay $0x1  }
0x45: {  	v1 =	vld [tilespmem:s19+$0x5160];
	[tilespmem:s19+$0xA150] =	vst v0  }
0x46: {  	v0 =	vld.idx.msk [tilespmem:v3+s10+$0x0], $0xffff  }
0x47: {  	v2 =	vld.idx.msk [tilespmem:v3+s4+$0x0], $0xffff  }
0x48: {  	v3 =	vld [tilespmem:s19+$0x170];
	_ =	sdelay $0x2  }
0x49: {  	v0 =	vmul.f32 v1, v0;
	_ =	sdelay $0x1  }
0x4a: {  	v0 =	vadd.f32 v0, v2;
	_ =	sdelay $0x1  }
0x4b: {  	v1 =	vld [tilespmem:s19+$0x5170];
	[tilespmem:s19+$0xA160] =	vst v0  }
0x4c: {  	v0 =	vld.idx.msk [tilespmem:v3+s10+$0x0], $0xffff  }
0x4d: {  	v2 =	vld.idx.msk [tilespmem:v3+s4+$0x0], $0xffff  }
0x4e: {  	v3 =	vld [tilespmem:s19+$0x500];
	_ =	sdelay $0x2  }
0x4f: {  	v0 =	vmul.f32 v1, v0;
	_ =	sdelay $0x1  }
0x50: {  	v0 =	vadd.f32 v0, v2;
	_ =	sdelay $0x1  }
0x51: {  	v1 =	vld [tilespmem:s19+$0x5500];
	[tilespmem:s19+$0xA170] =	vst v0  }
0x52: {  	v0 =	vld.idx.msk [tilespmem:v3+s10+$0x0], $0xffff  }
0x53: {  	v2 =	vld.idx.msk [tilespmem:v3+s4+$0x0], $0xffff  }
0x54: {  	v3 =	vld [tilespmem:s19+$0x510];
	_ =	sdelay $0x2  }
0x55: {  	v0 =	vmul.f32 v1, v0;
	_ =	sdelay $0x1  }
0x56: {  	v0 =	vadd.f32 v0, v2;
	_ =	sdelay $0x1  }
0x57: {  	v1 =	vld [tilespmem:s19+$0x5510];
	[tilespmem:s19+$0xA500] =	vst v0  }
0x58: {  	v0 =	vld.idx.msk [tilespmem:v3+s10+$0x0], $0xffff  }
0x59: {  	v2 =	vld.idx.msk [tilespmem:v3+s4+$0x0], $0xffff  }
0x5a: {  	v3 =	vld [tilespmem:s19+$0x520];
	_ =	sdelay $0x2  }
0x5b: {  	v0 =	vmul.f32 v1, v0;
	_ =	sdelay $0x1  }
0x5c: {  	v0 =	vadd.f32 v0, v2;
	_ =	sdelay $0x1  }
0x5d: {  	v1 =	vld [tilespmem:s19+$0x5520];
	[tilespmem:s19+$0xA510] =	vst v0  }
0x5e: {  	v0 =	vld.idx.msk [tilespmem:v3+s10+$0x0], $0xffff  }
0x5f: {  	v2 =	vld.idx.msk [tilespmem:v3+s4+$0x0], $0xffff  }
0x60: {  	v3 =	vld [tilespmem:s19+$0x530];
	_ =	sdelay $0x2  }
0x61: {  	s31 =	simm.s32 $0x200;
	s21 =	simm.s32 $0x80;
	v0 =	vmul.f32 v1, v0  }
0x62: {  	s20 =	sand.u32 $0x7000, s31;
	s21 =	sand.u32 $0x380, s21  }
0x63: {  	s20 =	sor.u32 s21, s20;
	v0 =	vadd.f32 v0, v2  }
0x64: {  	v1 =	vld [tilespmem:s20+$0x100]  }
0x65: {  	v2 =	vld [tilespmem:s19+$0x5530];
	[tilespmem:s19+$0xA520] =	vst v0  }
0x66: {  	v0 =	vld.idx.msk [tilespmem:v3+s10+$0x0], $0xffff  }
0x67: {  	v4 =	vld [tilespmem:s19+$0x540]  }
0x68: {  	v3 =	vld.idx.msk [tilespmem:v3+s4+$0x0], $0xffff;
	_ =	sdelay $0x2  }
0x69: {  	v5 =	vld [tilespmem:s20+$0x5100];
	v0 =	vmul.f32 v2, v0  }
0x6a: {  	v2 =	vld.idx.msk [tilespmem:v1+s10+$0x0], $0xffff  }
0x6b: {  	v1 =	vld.idx.msk [tilespmem:v1+s4+$0x0], $0xffff;
	v0 =	vadd.f32 v0, v3  }
0x6c: {  	v3 =	vld [tilespmem:s20+$0x110]  }
0x6d: {  	v6 =	vld [tilespmem:s19+$0x5540];
	[tilespmem:s19+$0xA530] =	vst v0  }
0x6e: {  	v0 =	vld.idx.msk [tilespmem:v4+s10+$0x0], $0xffff  }
0x6f: {  	v2 =	vmul.f32 v5, v2;
	v4 =	vld.idx.msk [tilespmem:v4+s4+$0x0], $0xffff  }
0x70: {  	v5 =	vld [tilespmem:s19+$0x550]  }
0x71: {  	v1 =	vadd.f32 v2, v1;
	_ =	sdelay $0x1  }
0x72: {  	v2 =	vld [tilespmem:s20+$0x5110];
	[tilespmem:s20+$0xA100] =	vst v1;
	v0 =	vmul.f32 v6, v0  }
0x73: {  	v1 =	vld.idx.msk [tilespmem:v3+s10+$0x0], $0xffff  }
0x74: {  	v3 =	vld.idx.msk [tilespmem:v3+s4+$0x0], $0xffff;
	v0 =	vadd.f32 v0, v4  }
0x75: {  	v4 =	vld [tilespmem:s20+$0x120]  }
0x76: {  	v6 =	vld [tilespmem:s19+$0x5550];
	[tilespmem:s19+$0xA540] =	vst v0  }
0x77: {  	v0 =	vld.idx.msk [tilespmem:v5+s10+$0x0], $0xffff  }
0x78: {  	v1 =	vmul.f32 v2, v1;
	v2 =	vld.idx.msk [tilespmem:v5+s4+$0x0], $0xffff  }
0x79: {  	v5 =	vld [tilespmem:s19+$0x560]  }
0x7a: {  	v1 =	vadd.f32 v1, v3;
	_ =	sdelay $0x1  }
0x7b: {  	v3 =	vld [tilespmem:s20+$0x5120];
	[tilespmem:s20+$0xA110] =	vst v1;
	v0 =	vmul.f32 v6, v0  }
0x7c: {  	v1 =	vld.idx.msk [tilespmem:v4+s10+$0x0], $0xffff  }
0x7d: {  	v0 =	vadd.f32 v0, v2;
	v2 =	vld.idx.msk [tilespmem:v4+s4+$0x0], $0xffff  }
0x7e: {  	v4 =	vld [tilespmem:s20+$0x130]  }
0x7f: {  	v6 =	vld [tilespmem:s19+$0x5560];
	[tilespmem:s19+$0xA550] =	vst v0  }
0x80: {  	v0 =	vld.idx.msk [tilespmem:v5+s10+$0x0], $0xffff  }
0x81: {  	v1 =	vmul.f32 v3, v1;
	v3 =	vld.idx.msk [tilespmem:v5+s4+$0x0], $0xffff  }
0x82: {  	v5 =	vld [tilespmem:s19+$0x570]  }
0x83: {  	v1 =	vadd.f32 v1, v2;
	_ =	sdelay $0x1  }
0x84: {  	v2 =	vld [tilespmem:s20+$0x5130];
	[tilespmem:s20+$0xA120] =	vst v1;
	v0 =	vmul.f32 v6, v0  }
0x85: {  	v1 =	vld.idx.msk [tilespmem:v4+s10+$0x0], $0xffff  }
0x86: {  	v0 =	vadd.f32 v0, v3;
	v3 =	vld.idx.msk [tilespmem:v4+s4+$0x0], $0xffff  }
0x87: {  	v4 =	vld [tilespmem:s20+$0x140]  }
0x88: {  	v6 =	vld [tilespmem:s19+$0x5570];
	[tilespmem:s19+$0xA560] =	vst v0  }
0x89: {  	v0 =	vld.idx.msk [tilespmem:v5+s10+$0x0], $0xffff  }
0x8a: {  	v1 =	vmul.f32 v2, v1;
	v2 =	vld.idx.msk [tilespmem:v5+s4+$0x0], $0xffff  }
0x8b: {  	v5 =	vld [tilespmem:s19+$0x900]  }
0x8c: {  	v1 =	vadd.f32 v1, v3;
	_ =	sdelay $0x1  }
0x8d: {  	v3 =	vld [tilespmem:s20+$0x5140];
	[tilespmem:s20+$0xA130] =	vst v1;
	v0 =	vmul.f32 v6, v0  }
0x8e: {  	v1 =	vld.idx.msk [tilespmem:v4+s10+$0x0], $0xffff  }
0x8f: {  	v0 =	vadd.f32 v0, v2;
	v2 =	vld.idx.msk [tilespmem:v4+s4+$0x0], $0xffff  }
0x90: {  	v4 =	vld [tilespmem:s20+$0x150]  }
0x91: {  	v6 =	vld [tilespmem:s19+$0x5900];
	[tilespmem:s19+$0xA570] =	vst v0  }
0x92: {  	v0 =	vld.idx.msk [tilespmem:v5+s10+$0x0], $0xffff  }
0x93: {  	v1 =	vmul.f32 v3, v1;
	v3 =	vld.idx.msk [tilespmem:v5+s4+$0x0], $0xffff  }
0x94: {  	v5 =	vld [tilespmem:s19+$0x910]  }
0x95: {  	v1 =	vadd.f32 v1, v2;
	_ =	sdelay $0x1  }
0x96: {  	v2 =	vld [tilespmem:s20+$0x5150];
	[tilespmem:s20+$0xA140] =	vst v1;
	v0 =	vmul.f32 v6, v0  }
0x97: {  	v1 =	vld.idx.msk [tilespmem:v4+s10+$0x0], $0xffff  }
0x98: {  	v0 =	vadd.f32 v0, v3;
	v3 =	vld.idx.msk [tilespmem:v4+s4+$0x0], $0xffff  }
0x99: {  	v4 =	vld [tilespmem:s20+$0x160]  }
0x9a: {  	v6 =	vld [tilespmem:s19+$0x5910];
	[tilespmem:s19+$0xA900] =	vst v0  }
0x9b: {  	v0 =	vld.idx.msk [tilespmem:v5+s10+$0x0], $0xffff  }
0x9c: {  	v1 =	vmul.f32 v2, v1;
	v2 =	vld.idx.msk [tilespmem:v5+s4+$0x0], $0xffff  }
0x9d: {  	v5 =	vld [tilespmem:s19+$0x920]  }
0x9e: {  	v1 =	vadd.f32 v1, v3;
	_ =	sdelay $0x1  }
0x9f: {  	v3 =	vld [tilespmem:s20+$0x5160];
	[tilespmem:s20+$0xA150] =	vst v1;
	v0 =	vmul.f32 v6, v0  }
0xa0: {  	v1 =	vld.idx.msk [tilespmem:v4+s10+$0x0], $0xffff  }
0xa1: {  	v0 =	vadd.f32 v0, v2;
	v2 =	vld.idx.msk [tilespmem:v4+s4+$0x0], $0xffff  }
0xa2: {  	v4 =	vld [tilespmem:s20+$0x170]  }
0xa3: {  	v6 =	vld [tilespmem:s19+$0x5920];
	[tilespmem:s19+$0xA910] =	vst v0  }
0xa4: {  	v0 =	vld.idx.msk [tilespmem:v5+s10+$0x0], $0xffff  }
0xa5: {  	v1 =	vmul.f32 v3, v1;
	v3 =	vld.idx.msk [tilespmem:v5+s4+$0x0], $0xffff  }
0xa6: {  	v5 =	vld [tilespmem:s19+$0x930]  }
0xa7: {  	v1 =	vadd.f32 v1, v2;
	_ =	sdelay $0x1  }
0xa8: {  	v2 =	vld [tilespmem:s20+$0x5170];
	[tilespmem:s20+$0xA160] =	vst v1;
	v0 =	vmul.f32 v6, v0  }
0xa9: {  	v1 =	vld.idx.msk [tilespmem:v4+s10+$0x0], $0xffff  }
0xaa: {  	v0 =	vadd.f32 v0, v3;
	v3 =	vld.idx.msk [tilespmem:v4+s4+$0x0], $0xffff  }
0xab: {  	v4 =	vld [tilespmem:s20+$0x500]  }
0xac: {  	v6 =	vld [tilespmem:s19+$0x5930];
	[tilespmem:s19+$0xA920] =	vst v0  }
0xad: {  	v0 =	vld.idx.msk [tilespmem:v5+s10+$0x0], $0xffff  }
0xae: {  	v1 =	vmul.f32 v2, v1;
	v2 =	vld.idx.msk [tilespmem:v5+s4+$0x0], $0xffff  }
0xaf: {  	v5 =	vld [tilespmem:s19+$0x940]  }
0xb0: {  	v7 =	vld [tilespmem:s19+$0x5940];
	v1 =	vadd.f32 v1, v3  }
0xb1: {  	v8 =	vld [tilespmem:s20+$0x5510]  }
0xb2: {  	v3 =	vld [tilespmem:s20+$0x5500];
	[tilespmem:s20+$0xA170] =	vst v1;
	v0 =	vmul.f32 v6, v0  }
0xb3: {  	v1 =	vld.idx.msk [tilespmem:v4+s10+$0x0], $0xffff  }
0xb4: {  	v0 =	vadd.f32 v0, v2;
	v2 =	vld.idx.msk [tilespmem:v4+s4+$0x0], $0xffff  }
0xb5: {  	v4 =	vld [tilespmem:s20+$0x510]  }
0xb6: {  	v10 =	vld [tilespmem:s19+$0x5950];
	[tilespmem:s19+$0xA930] =	vst v0  }
0xb7: {  	v6 =	vld.idx.msk [tilespmem:v5+s10+$0x0], $0xffff  }
0xb8: {  	v0 =	vmul.f32 v3, v1;
	v3 =	vld.idx.msk [tilespmem:v5+s4+$0x0], $0xffff  }
0xb9: {  	v5 =	vld [tilespmem:s19+$0x950]  }
0xba: {  	v13 =	vld [tilespmem:s20+$0x5520];
	v2 =	vadd.f32 v0, v2  }
0xbb: {  	v11 =	vld [tilespmem:s20+$0x530]  }
0xbc: {  	v1 =	vld [tilespmem:s19+$0xD60];
	[tilespmem:s20+$0xA500] =	vst v2;
	v6 =	vmul.f32 v7, v6  }
0xbd: {  	v7 =	vld.idx.msk [tilespmem:v4+s10+$0x0], $0xffff  }
0xbe: {  	v4 =	vld.idx.msk [tilespmem:v4+s4+$0x0], $0xffff;
	v3 =	vadd.f32 v6, v3  }
0xbf: {  	v6 =	vld [tilespmem:s20+$0x520]  }
0xc0: {  	v0 =	vld [tilespmem:s19+$0xD70];
	[tilespmem:s19+$0xA940] =	vst v3  }
0xc1: {  	v9 =	vld.idx.msk [tilespmem:v5+s10+$0x0], $0xffff  }
0xc2: {  	v3 =	vmul.f32 v8, v7;
	v7 =	vld.idx.msk [tilespmem:v5+s4+$0x0], $0xffff  }
0xc3: {  	v8 =	vld [tilespmem:s19+$0x960]  }
0xc4: {  	v2 =	vld [tilespmem:s19+$0xD50];
	v5 =	vadd.f32 v3, v4  }
0xc5: {  	v3 =	vld [tilespmem:s19+$0xD40]  }
0xc6: {  	v4 =	vld [tilespmem:s19+$0xD30];
	[tilespmem:s20+$0xA510] =	vst v5;
	v9 =	vmul.f32 v10, v9  }
0xc7: {  	v12 =	vld.idx.msk [tilespmem:v6+s10+$0x0], $0xffff  }
0xc8: {  	v5 =	vld [tilespmem:s19+$0xD20];
	v7 =	vadd.f32 v9, v7  }
0xc9: {  	v6 =	vld.idx.msk [tilespmem:v6+s4+$0x0], $0xffff  }
0xca: {  	v10 =	vld [tilespmem:s19+$0x5960];
	[tilespmem:s19+$0xA950] =	vst v7  }
0xcb: {  	v9 =	vld.idx.msk [tilespmem:v8+s10+$0x0], $0xffff  }
0xcc: {  	v7 =	vld [tilespmem:s19+$0x970];
	v12 =	vmul.f32 v13, v12  }
0xcd: {  	s22 =	simm.s32 $0x400;
	s21 =	simm.s32 $0x100;
	v8 =	vld.idx.msk [tilespmem:v8+s4+$0x0], $0xffff  }
0xce: {  	s23 =	sand.u32 $0x7000, s22;
	s22 =	simm.s32 $0x600;
	s24 =	sand.u32 $0x380, s21;
	v12 =	vadd.f32 v12, v6;
	v6 =	vld [tilespmem:s19+$0xD10]  }
.LBB2_2:
0xcf: {  	p0 =	sne.s32 s22, $0x4E00;
	s23 =	sor.u32 s24, s23;
	v13 =	vld [tilespmem:s19+$0xD00]  }
0xd0: {  	v14 =	vld [tilespmem:s23+$0x100];
	[tilespmem:s20+$0xA520] =	vst v12;
	v9 =	vmul.f32 v10, v9  }
0xd1: {  	v10 =	vld.idx.msk [tilespmem:v11+s10+$0x0], $0xffff  }
0xd2: {  	v12 =	vld [tilespmem:s20+$0x5530];
	v8 =	vadd.f32 v9, v8  }
0xd3: {  	v9 =	vld.idx.msk [tilespmem:v11+s4+$0x0], $0xffff  }
0xd4: {  	v11 =	vld [tilespmem:s20+$0x540];
	[tilespmem:s19+$0xA960] =	vst v8  }
0xd5: {  	v8 =	vld.idx.msk [tilespmem:v7+s10+$0x0], $0xffff  }
0xd6: {  	v15 =	vld [tilespmem:s19+$0x5970]  }
0xd7: {  	v10 =	vmul.f32 v12, v10;
	v7 =	vld.idx.msk [tilespmem:v7+s4+$0x0], $0xffff  }
0xd8: {  	v12 =	vld.idx.msk [tilespmem:v14+s10+$0x0], $0xffff  }
0xd9: {  	v16 =	vld [tilespmem:s23+$0x5100];
	v9 =	vadd.f32 v10, v9  }
0xda: {  	v10 =	vld.idx.msk [tilespmem:v14+s4+$0x0], $0xffff  }
0xdb: {  	v14 =	vld [tilespmem:s23+$0x110];
	[tilespmem:s20+$0xA530] =	vst v9;
	v8 =	vmul.f32 v15, v8  }
0xdc: {  	v9 =	vld.idx.msk [tilespmem:v11+s10+$0x0], $0xffff  }
0xdd: {  	v15 =	vld [tilespmem:s20+$0x5540];
	v7 =	vadd.f32 v8, v7  }
0xde: {  	v8 =	vmul.f32 v16, v12;
	v11 =	vld.idx.msk [tilespmem:v11+s4+$0x0], $0xffff  }
0xdf: {  	v12 =	vld [tilespmem:s20+$0x550];
	[tilespmem:s19+$0xA970] =	vst v7  }
0xe0: {  	v7 =	vadd.f32 v8, v10;
	v8 =	vld.idx.msk [tilespmem:v13+s10+$0x0], $0xffff  }
0xe1: {  	v10 =	vld [tilespmem:s19+$0x5D00]  }
0xe2: {  	[tilespmem:s23+$0xA100] =	vst v7;
	v7 =	vmul.f32 v15, v9;
	v9 =	vld.idx.msk [tilespmem:v13+s4+$0x0], $0xffff  }
0xe3: {  	v13 =	vld.idx.msk [tilespmem:v14+s10+$0x0], $0xffff  }
0xe4: {  	v15 =	vld [tilespmem:s23+$0x5110];
	v7 =	vadd.f32 v7, v11  }
0xe5: {  	v11 =	vld.idx.msk [tilespmem:v14+s4+$0x0], $0xffff  }
0xe6: {  	v14 =	vld [tilespmem:s23+$0x120];
	[tilespmem:s20+$0xA540] =	vst v7;
	v7 =	vmul.f32 v10, v8  }
0xe7: {  	v8 =	vld.idx.msk [tilespmem:v12+s10+$0x0], $0xffff  }
0xe8: {  	v10 =	vld [tilespmem:s20+$0x5550];
	v7 =	vadd.f32 v7, v9  }
0xe9: {  	v9 =	vmul.f32 v15, v13;
	v12 =	vld.idx.msk [tilespmem:v12+s4+$0x0], $0xffff  }
0xea: {  	v13 =	vld [tilespmem:s20+$0x560];
	[tilespmem:s19+$0xAD00] =	vst v7  }
0xeb: {  	v7 =	vadd.f32 v9, v11;
	v9 =	vld.idx.msk [tilespmem:v6+s10+$0x0], $0xffff  }
0xec: {  	v11 =	vld [tilespmem:s19+$0x5D10]  }
0xed: {  	[tilespmem:s23+$0xA110] =	vst v7;
	v7 =	vmul.f32 v10, v8;
	v6 =	vld.idx.msk [tilespmem:v6+s4+$0x0], $0xffff  }
0xee: {  	v8 =	vld.idx.msk [tilespmem:v14+s10+$0x0], $0xffff  }
0xef: {  	v10 =	vld [tilespmem:s23+$0x5120];
	v7 =	vadd.f32 v7, v12  }
0xf0: {  	v12 =	vld.idx.msk [tilespmem:v14+s4+$0x0], $0xffff  }
0xf1: {  	v14 =	vld [tilespmem:s23+$0x130];
	[tilespmem:s20+$0xA550] =	vst v7;
	v7 =	vmul.f32 v11, v9  }
0xf2: {  	v9 =	vld.idx.msk [tilespmem:v13+s10+$0x0], $0xffff  }
0xf3: {  	v11 =	vld [tilespmem:s20+$0x5560];
	v6 =	vadd.f32 v7, v6  }
0xf4: {  	v7 =	vmul.f32 v10, v8;
	v8 =	vld.idx.msk [tilespmem:v13+s4+$0x0], $0xffff  }
0xf5: {  	v10 =	vld [tilespmem:s20+$0x570];
	[tilespmem:s19+$0xAD10] =	vst v6  }
0xf6: {  	v6 =	vadd.f32 v7, v12;
	v7 =	vld.idx.msk [tilespmem:v5+s10+$0x0], $0xffff  }
0xf7: {  	v12 =	vld [tilespmem:s19+$0x5D20]  }
0xf8: {  	[tilespmem:s23+$0xA120] =	vst v6;
	v6 =	vmul.f32 v11, v9;
	v5 =	vld.idx.msk [tilespmem:v5+s4+$0x0], $0xffff  }
0xf9: {  	v9 =	vld.idx.msk [tilespmem:v14+s10+$0x0], $0xffff  }
0xfa: {  	v11 =	vld [tilespmem:s23+$0x5130];
	v6 =	vadd.f32 v6, v8  }
0xfb: {  	v8 =	vld.idx.msk [tilespmem:v14+s4+$0x0], $0xffff  }
0xfc: {  	v13 =	vld [tilespmem:s23+$0x140];
	[tilespmem:s20+$0xA560] =	vst v6;
	v6 =	vmul.f32 v12, v7  }
0xfd: {  	v7 =	vld.idx.msk [tilespmem:v10+s10+$0x0], $0xffff  }
0xfe: {  	v12 =	vld [tilespmem:s20+$0x5570];
	v5 =	vadd.f32 v6, v5  }
0xff: {  	v6 =	vmul.f32 v11, v9;
	v9 =	vld.idx.msk [tilespmem:v10+s4+$0x0], $0xffff  }
0x100: {  	v10 =	vld [tilespmem:s20+$0x900];
	[tilespmem:s19+$0xAD20] =	vst v5  }
0x101: {  	v5 =	vadd.f32 v6, v8;
	v6 =	vld.idx.msk [tilespmem:v4+s10+$0x0], $0xffff  }
0x102: {  	v8 =	vld [tilespmem:s19+$0x5D30]  }
0x103: {  	[tilespmem:s23+$0xA130] =	vst v5;
	v5 =	vmul.f32 v12, v7;
	v4 =	vld.idx.msk [tilespmem:v4+s4+$0x0], $0xffff  }
0x104: {  	v7 =	vld.idx.msk [tilespmem:v13+s10+$0x0], $0xffff  }
0x105: {  	v11 =	vld [tilespmem:s23+$0x5140];
	v5 =	vadd.f32 v5, v9  }
0x106: {  	v9 =	vld.idx.msk [tilespmem:v13+s4+$0x0], $0xffff  }
0x107: {  	v12 =	vld [tilespmem:s23+$0x150];
	[tilespmem:s20+$0xA570] =	vst v5;
	v5 =	vmul.f32 v8, v6  }
0x108: {  	v6 =	vld.idx.msk [tilespmem:v10+s10+$0x0], $0xffff  }
0x109: {  	v8 =	vld [tilespmem:s20+$0x5900];
	v4 =	vadd.f32 v5, v4  }
0x10a: {  	v5 =	vmul.f32 v11, v7;
	v7 =	vld.idx.msk [tilespmem:v10+s4+$0x0], $0xffff  }
0x10b: {  	v10 =	vld [tilespmem:s20+$0x910];
	[tilespmem:s19+$0xAD30] =	vst v4  }
0x10c: {  	v4 =	vadd.f32 v5, v9;
	v5 =	vld.idx.msk [tilespmem:v3+s10+$0x0], $0xffff  }
0x10d: {  	v9 =	vld [tilespmem:s19+$0x5D40]  }
0x10e: {  	[tilespmem:s23+$0xA140] =	vst v4;
	v4 =	vmul.f32 v8, v6;
	v3 =	vld.idx.msk [tilespmem:v3+s4+$0x0], $0xffff  }
0x10f: {  	v6 =	vld.idx.msk [tilespmem:v12+s10+$0x0], $0xffff  }
0x110: {  	v8 =	vld [tilespmem:s23+$0x5150];
	v4 =	vadd.f32 v4, v7  }
0x111: {  	v7 =	vld.idx.msk [tilespmem:v12+s4+$0x0], $0xffff  }
0x112: {  	v11 =	vld [tilespmem:s23+$0x160];
	[tilespmem:s20+$0xA900] =	vst v4;
	v4 =	vmul.f32 v9, v5  }
0x113: {  	v5 =	vld.idx.msk [tilespmem:v10+s10+$0x0], $0xffff  }
0x114: {  	v9 =	vld [tilespmem:s20+$0x5910];
	v3 =	vadd.f32 v4, v3  }
0x115: {  	v4 =	vmul.f32 v8, v6;
	v6 =	vld.idx.msk [tilespmem:v10+s4+$0x0], $0xffff  }
0x116: {  	v8 =	vld [tilespmem:s20+$0x920];
	[tilespmem:s19+$0xAD40] =	vst v3  }
0x117: {  	v3 =	vadd.f32 v4, v7;
	v4 =	vld.idx.msk [tilespmem:v2+s10+$0x0], $0xffff  }
0x118: {  	v7 =	vld [tilespmem:s19+$0x5D50]  }
0x119: {  	[tilespmem:s23+$0xA150] =	vst v3;
	v3 =	vmul.f32 v9, v5;
	v2 =	vld.idx.msk [tilespmem:v2+s4+$0x0], $0xffff  }
0x11a: {  	v5 =	vld.idx.msk [tilespmem:v11+s10+$0x0], $0xffff  }
0x11b: {  	v9 =	vld [tilespmem:s23+$0x5160];
	v3 =	vadd.f32 v3, v6  }
0x11c: {  	v6 =	vld.idx.msk [tilespmem:v11+s4+$0x0], $0xffff  }
0x11d: {  	v10 =	vld [tilespmem:s23+$0x170];
	[tilespmem:s20+$0xA910] =	vst v3;
	v3 =	vmul.f32 v7, v4  }
0x11e: {  	v4 =	vld.idx.msk [tilespmem:v8+s10+$0x0], $0xffff  }
0x11f: {  	v7 =	vld [tilespmem:s20+$0x5920];
	v2 =	vadd.f32 v3, v2  }
0x120: {  	v3 =	vmul.f32 v9, v5;
	v5 =	vld.idx.msk [tilespmem:v8+s4+$0x0], $0xffff  }
0x121: {  	v8 =	vld [tilespmem:s20+$0x930];
	[tilespmem:s19+$0xAD50] =	vst v2  }
0x122: {  	v2 =	vadd.f32 v3, v6;
	v3 =	vld.idx.msk [tilespmem:v1+s10+$0x0], $0xffff  }
0x123: {  	v6 =	vld [tilespmem:s19+$0x5D60]  }
0x124: {  	[tilespmem:s23+$0xA160] =	vst v2;
	v2 =	vmul.f32 v7, v4;
	v1 =	vld.idx.msk [tilespmem:v1+s4+$0x0], $0xffff  }
0x125: {  	v4 =	vld.idx.msk [tilespmem:v10+s10+$0x0], $0xffff  }
0x126: {  	v7 =	vld [tilespmem:s23+$0x5170];
	v2 =	vadd.f32 v2, v5  }
0x127: {  	v5 =	vld.idx.msk [tilespmem:v10+s4+$0x0], $0xffff  }
0x128: {  	v9 =	vld [tilespmem:s23+$0x500];
	[tilespmem:s20+$0xA920] =	vst v2;
	v2 =	vmul.f32 v6, v3  }
0x129: {  	v3 =	vld.idx.msk [tilespmem:v8+s10+$0x0], $0xffff  }
0x12a: {  	v6 =	vld [tilespmem:s20+$0x5930];
	v1 =	vadd.f32 v2, v1  }
0x12b: {  	v2 =	vmul.f32 v7, v4;
	v4 =	vld.idx.msk [tilespmem:v8+s4+$0x0], $0xffff  }
0x12c: {  	v7 =	vld [tilespmem:s20+$0x940];
	[tilespmem:s19+$0xAD60] =	vst v1  }
0x12d: {  	v1 =	vadd.f32 v2, v5;
	v2 =	vld.idx.msk [tilespmem:v0+s10+$0x0], $0xffff  }
0x12e: {  	v5 =	vld [tilespmem:s19+$0x5D70]  }
0x12f: {  	[tilespmem:s23+$0xA170] =	vst v1;
	v1 =	vmul.f32 v6, v3;
	v0 =	vld.idx.msk [tilespmem:v0+s4+$0x0], $0xffff  }
0x130: {  	v3 =	vld.idx.msk [tilespmem:v9+s10+$0x0], $0xffff  }
0x131: {  	v6 =	vld [tilespmem:s23+$0x5500];
	v1 =	vadd.f32 v1, v4  }
0x132: {  	v4 =	vld.idx.msk [tilespmem:v9+s4+$0x0], $0xffff  }
0x133: {  	v8 =	vld [tilespmem:s23+$0x510];
	[tilespmem:s20+$0xA930] =	vst v1;
	v1 =	vmul.f32 v5, v2  }
0x134: {  	v2 =	vld.idx.msk [tilespmem:v7+s10+$0x0], $0xffff  }
0x135: {  	v5 =	vld [tilespmem:s20+$0x5940];
	v0 =	vadd.f32 v1, v0  }
0x136: {  	v1 =	vmul.f32 v6, v3;
	v3 =	vld.idx.msk [tilespmem:v7+s4+$0x0], $0xffff  }
0x137: {  	v6 =	vld [tilespmem:s20+$0x950];
	[tilespmem:s19+$0xAD70] =	vst v0;
	s19 =	smov.u32 s20;
	s20 =	smov.u32 s23  }
0x138: {  	v4 =	vadd.f32 v1, v4;
	v0 =	vld [tilespmem:s19+$0xD70]  }
0x139: {  	v1 =	vld [tilespmem:s19+$0xD60]  }
0x13a: {  	[tilespmem:s20+$0xA500] =	vst v4;
	v4 =	vmul.f32 v5, v2;
	v2 =	vld [tilespmem:s19+$0xD50]  }
0x13b: {  	v5 =	vld.idx.msk [tilespmem:v8+s10+$0x0], $0xffff  }
0x13c: {  	v7 =	vld [tilespmem:s20+$0x5510];
	v3 =	vadd.f32 v4, v3  }
0x13d: {  	v4 =	vld.idx.msk [tilespmem:v8+s4+$0x0], $0xffff  }
0x13e: {  	v8 =	vld [tilespmem:s20+$0x520];
	[tilespmem:s19+$0xA940] =	vst v3  }
0x13f: {  	v9 =	vld.idx.msk [tilespmem:v6+s10+$0x0], $0xffff  }
0x140: {  	v10 =	vld [tilespmem:s19+$0x5950]  }
0x141: {  	v3 =	vmul.f32 v7, v5;
	v6 =	vld.idx.msk [tilespmem:v6+s4+$0x0], $0xffff  }
0x142: {  	v7 =	vld [tilespmem:s19+$0x960]  }
0x143: {  	v5 =	vadd.f32 v3, v4;
	v3 =	vld [tilespmem:s19+$0xD40]  }
0x144: {  	v4 =	vld [tilespmem:s19+$0xD30]  }
0x145: {  	[tilespmem:s20+$0xA510] =	vst v5;
	v9 =	vmul.f32 v10, v9;
	v5 =	vld [tilespmem:s19+$0xD20]  }
0x146: {  	v12 =	vld.idx.msk [tilespmem:v8+s10+$0x0], $0xffff  }
0x147: {  	v13 =	vld [tilespmem:s20+$0x5520];
	v6 =	vadd.f32 v9, v6  }
0x148: {  	v14 =	vld.idx.msk [tilespmem:v8+s4+$0x0], $0xffff  }
0x149: {  	v11 =	vld [tilespmem:s20+$0x530];
	[tilespmem:s19+$0xA950] =	vst v6  }
.Ltmp0:
0x14a: {  	v9 =	vld.idx.msk [tilespmem:v7+s10+$0x0], $0xffff;
	(pc) =	sbr.rel @p0 .LBB2_2-.Ltmp0, $4  }
0x14b: {  	v10 =	vld [tilespmem:s19+$0x5960]  }
0x14c: {  	v6 =	vmul.f32 v13, v12;
	v8 =	vld.idx.msk [tilespmem:v7+s4+$0x0], $0xffff  }
0x14d: {  	s21 =	sadd.s32 $0x80, s21;
	v7 =	vld [tilespmem:s19+$0x970]  }
0x14e: {  	s24 =	sand.u32 $0x380, s21;
	s23 =	sand.u32 $0x7000, s22;
	s22 =	sadd.s32 $0x200, s22;
	v12 =	vadd.f32 v6, v14;
	v6 =	vld [tilespmem:s19+$0xD10]  }
0x14f: {  	s21 =	sor.u32 s24, s23  }
0x150: {  	v13 =	vld [tilespmem:s21+$0x100];
	_ =	sdelay $0x6  }
0x151: {  	v15 =	vld [tilespmem:s21+$0x5100]  }
0x152: {  	v14 =	vld.idx.msk [tilespmem:v13+s10+$0x0], $0xffff  }
0x153: {  	v16 =	vld [tilespmem:s21+$0x110]  }
0x154: {  	v13 =	vld.idx.msk [tilespmem:v13+s4+$0x0], $0xffff;
	_ =	sdelay $0x2  }
0x155: {  	v14 =	vmul.f32 v15, v14;
	_ =	sdelay $0x1  }
0x156: {  	v13 =	vadd.f32 v14, v13;
	_ =	sdelay $0x1  }
0x157: {  	v23 =	vld [tilespmem:s21+$0x5110];
	[tilespmem:s21+$0xA100] =	vst v13  }
0x158: {  	v13 =	vld.idx.msk [tilespmem:v16+s10+$0x0], $0xffff  }
0x159: {  	v25 =	vld [tilespmem:s21+$0x120]  }
0x15a: {  	v24 =	vld.idx.msk [tilespmem:v16+s4+$0x0], $0xffff;
	_ =	sdelay $0x2  }
0x15b: {  	v13 =	vmul.f32 v23, v13;
	_ =	sdelay $0x1  }
0x15c: {  	v13 =	vadd.f32 v13, v24;
	_ =	sdelay $0x1  }
0x15d: {  	v26 =	vld [tilespmem:s21+$0x5120];
	[tilespmem:s21+$0xA110] =	vst v13  }
0x15e: {  	v13 =	vld.idx.msk [tilespmem:v25+s10+$0x0], $0xffff  }
0x15f: {  	v28 =	vld [tilespmem:s21+$0x130]  }
0x160: {  	v27 =	vld.idx.msk [tilespmem:v25+s4+$0x0], $0xffff;
	_ =	sdelay $0x2  }
0x161: {  	v13 =	vmul.f32 v26, v13;
	_ =	sdelay $0x1  }
0x162: {  	v13 =	vadd.f32 v13, v27;
	_ =	sdelay $0x1  }
0x163: {  	v29 =	vld [tilespmem:s21+$0x5130];
	[tilespmem:s21+$0xA120] =	vst v13  }
0x164: {  	v13 =	vld.idx.msk [tilespmem:v28+s10+$0x0], $0xffff  }
0x165: {  	v31 =	vld [tilespmem:s21+$0x140]  }
0x166: {  	v30 =	vld.idx.msk [tilespmem:v28+s4+$0x0], $0xffff;
	_ =	sdelay $0x2  }
0x167: {  	v13 =	vmul.f32 v29, v13;
	_ =	sdelay $0x1  }
0x168: {  	v13 =	vadd.f32 v13, v30;
	_ =	sdelay $0x1  }
0x169: {  	v32 =	vld [tilespmem:s21+$0x5140];
	[tilespmem:s21+$0xA130] =	vst v13  }
0x16a: {  	v13 =	vld.idx.msk [tilespmem:v31+s10+$0x0], $0xffff  }
0x16b: {  	v34 =	vld [tilespmem:s21+$0x150]  }
0x16c: {  	v33 =	vld.idx.msk [tilespmem:v31+s4+$0x0], $0xffff;
	_ =	sdelay $0x2  }
0x16d: {  	v13 =	vmul.f32 v32, v13;
	_ =	sdelay $0x1  }
0x16e: {  	v13 =	vadd.f32 v13, v33;
	_ =	sdelay $0x1  }
0x16f: {  	v35 =	vld [tilespmem:s21+$0x5150];
	[tilespmem:s21+$0xA140] =	vst v13  }
0x170: {  	v13 =	vld.idx.msk [tilespmem:v34+s10+$0x0], $0xffff  }
0x171: {  	v37 =	vld [tilespmem:s21+$0x160]  }
0x172: {  	v36 =	vld.idx.msk [tilespmem:v34+s4+$0x0], $0xffff;
	_ =	sdelay $0x2  }
0x173: {  	v13 =	vmul.f32 v35, v13;
	_ =	sdelay $0x1  }
0x174: {  	v13 =	vadd.f32 v13, v36;
	_ =	sdelay $0x1  }
0x175: {  	v38 =	vld [tilespmem:s21+$0x5160];
	[tilespmem:s21+$0xA150] =	vst v13  }
0x176: {  	v13 =	vld.idx.msk [tilespmem:v37+s10+$0x0], $0xffff  }
0x177: {  	v40 =	vld [tilespmem:s21+$0x170]  }
0x178: {  	v39 =	vld.idx.msk [tilespmem:v37+s4+$0x0], $0xffff;
	_ =	sdelay $0x2  }
0x179: {  	v13 =	vmul.f32 v38, v13;
	_ =	sdelay $0x1  }
0x17a: {  	v13 =	vadd.f32 v13, v39;
	_ =	sdelay $0x1  }
0x17b: {  	v41 =	vld [tilespmem:s21+$0x5170];
	[tilespmem:s21+$0xA160] =	vst v13  }
0x17c: {  	v13 =	vld.idx.msk [tilespmem:v40+s10+$0x0], $0xffff  }
0x17d: {  	v43 =	vld [tilespmem:s21+$0x500]  }
0x17e: {  	v42 =	vld.idx.msk [tilespmem:v40+s4+$0x0], $0xffff;
	_ =	sdelay $0x2  }
0x17f: {  	v13 =	vmul.f32 v41, v13;
	_ =	sdelay $0x1  }
0x180: {  	v13 =	vadd.f32 v13, v42;
	_ =	sdelay $0x1  }
0x181: {  	v44 =	vld [tilespmem:s21+$0x5500];
	[tilespmem:s21+$0xA170] =	vst v13  }
0x182: {  	v13 =	vld.idx.msk [tilespmem:v43+s10+$0x0], $0xffff  }
0x183: {  	v46 =	vld [tilespmem:s21+$0x510]  }
0x184: {  	v45 =	vld.idx.msk [tilespmem:v43+s4+$0x0], $0xffff;
	_ =	sdelay $0x2  }
0x185: {  	v13 =	vmul.f32 v44, v13;
	_ =	sdelay $0x1  }
0x186: {  	v13 =	vadd.f32 v13, v45;
	_ =	sdelay $0x1  }
0x187: {  	v47 =	vld [tilespmem:s21+$0x5510];
	[tilespmem:s21+$0xA500] =	vst v13  }
0x188: {  	v13 =	vld.idx.msk [tilespmem:v46+s10+$0x0], $0xffff  }
0x189: {  	v49 =	vld [tilespmem:s21+$0x520]  }
0x18a: {  	v48 =	vld.idx.msk [tilespmem:v46+s4+$0x0], $0xffff;
	_ =	sdelay $0x2  }
0x18b: {  	v17 =	vld [tilespmem:s20+$0x5530];
	v13 =	vmul.f32 v47, v13  }
0x18c: {  	v54 =	vld [tilespmem:s20+$0x540];
	[tilespmem:s20+$0xA520] =	vst v12  }
0x18d: {  	v12 =	vld.idx.msk [tilespmem:v11+s10+$0x0], $0xffff;
	v13 =	vadd.f32 v13, v48  }
0x18e: {  	v50 =	vld [tilespmem:s21+$0x5520]  }
0x18f: {  	v53 =	vld.idx.msk [tilespmem:v11+s4+$0x0], $0xffff;
	[tilespmem:s21+$0xA510] =	vst v13  }
0x190: {  	v13 =	vld.idx.msk [tilespmem:v49+s10+$0x0], $0xffff  }
0x191: {  	v52 =	vld [tilespmem:s21+$0x530]  }
0x192: {  	v12 =	vmul.f32 v17, v12;
	v51 =	vld.idx.msk [tilespmem:v49+s4+$0x0], $0xffff;
	_ =	sdelay $0x1  }
0x193: {  	v11 =	vadd.f32 v12, v53  }
0x194: {  	v58 =	vld [tilespmem:s20+$0x5540];
	v13 =	vmul.f32 v50, v13  }
0x195: {  	v59 =	vld [tilespmem:s20+$0x550];
	[tilespmem:s20+$0xA530] =	vst v11  }
0x196: {  	v11 =	vld.idx.msk [tilespmem:v54+s10+$0x0], $0xffff;
	v13 =	vadd.f32 v13, v51  }
0x197: {  	v55 =	vld [tilespmem:s21+$0x5530]  }
0x198: {  	v14 =	vld.idx.msk [tilespmem:v54+s4+$0x0], $0xffff;
	[tilespmem:s21+$0xA520] =	vst v13  }
0x199: {  	v13 =	vld.idx.msk [tilespmem:v52+s10+$0x0], $0xffff  }
0x19a: {  	v57 =	vld [tilespmem:s21+$0x540]  }
0x19b: {  	v11 =	vmul.f32 v58, v11;
	v56 =	vld.idx.msk [tilespmem:v52+s4+$0x0], $0xffff;
	_ =	sdelay $0x1  }
0x19c: {  	v11 =	vadd.f32 v11, v14  }
0x19d: {  	v63 =	vld [tilespmem:s20+$0x5550];
	v13 =	vmul.f32 v55, v13  }
0x19e: {  	v20 =	vld [tilespmem:s20+$0x560];
	[tilespmem:s20+$0xA540] =	vst v11  }
0x19f: {  	v11 =	vld.idx.msk [tilespmem:v59+s10+$0x0], $0xffff;
	v12 =	vadd.f32 v13, v56  }
0x1a0: {  	v60 =	vld [tilespmem:s21+$0x5540]  }
0x1a1: {  	v19 =	vld.idx.msk [tilespmem:v59+s4+$0x0], $0xffff;
	[tilespmem:s21+$0xA530] =	vst v12  }
0x1a2: {  	v12 =	vld.idx.msk [tilespmem:v57+s10+$0x0], $0xffff  }
0x1a3: {  	v62 =	vld [tilespmem:s21+$0x550]  }
0x1a4: {  	v11 =	vmul.f32 v63, v11;
	v61 =	vld.idx.msk [tilespmem:v57+s4+$0x0], $0xffff;
	_ =	sdelay $0x1  }
0x1a5: {  	v11 =	vadd.f32 v11, v19  }
0x1a6: {  	v21 =	vld [tilespmem:s21+$0x5550];
	v12 =	vmul.f32 v60, v12  }
0x1a7: {  	v24 =	vld [tilespmem:s20+$0x5560];
	[tilespmem:s20+$0xA550] =	vst v11  }
0x1a8: {  	v11 =	vld.idx.msk [tilespmem:v20+s10+$0x0], $0xffff;
	v12 =	vadd.f32 v12, v61  }
0x1a9: {  	v25 =	vld.idx.msk [tilespmem:v20+s4+$0x0], $0xffff  }
0x1aa: {  	v26 =	vld [tilespmem:s20+$0x570];
	[tilespmem:s21+$0xA540] =	vst v12  }
0x1ab: {  	v12 =	vld.idx.msk [tilespmem:v62+s10+$0x0], $0xffff  }
0x1ac: {  	v23 =	vld [tilespmem:s21+$0x560]  }
0x1ad: {  	v11 =	vmul.f32 v24, v11;
	v22 =	vld.idx.msk [tilespmem:v62+s4+$0x0], $0xffff;
	_ =	sdelay $0x1  }
0x1ae: {  	v11 =	vadd.f32 v11, v25  }
0x1af: {  	v27 =	vld [tilespmem:s21+$0x5560];
	v12 =	vmul.f32 v21, v12  }
0x1b0: {  	[tilespmem:s20+$0xA560] =	vst v11;
	v29 =	vld [tilespmem:s21+$0x570]  }
0x1b1: {  	v11 =	vld.idx.msk [tilespmem:v26+s10+$0x0], $0xffff;
	v12 =	vadd.f32 v12, v22  }
0x1b2: {  	v30 =	vld [tilespmem:s20+$0x5570]  }
0x1b3: {  	v31 =	vld.idx.msk [tilespmem:v26+s4+$0x0], $0xffff;
	[tilespmem:s21+$0xA550] =	vst v12  }
0x1b4: {  	v12 =	vld.idx.msk [tilespmem:v23+s10+$0x0], $0xffff  }
0x1b5: {  	v32 =	vld [tilespmem:s20+$0x900]  }
0x1b6: {  	v28 =	vld.idx.msk [tilespmem:v23+s4+$0x0], $0xffff;
	_ =	sdelay $0x1  }
0x1b7: {  	v11 =	vmul.f32 v30, v11  }
0x1b8: {  	v12 =	vmul.f32 v27, v12  }
0x1b9: {  	v11 =	vadd.f32 v11, v31  }
0x1ba: {  	v12 =	vadd.f32 v12, v28  }
0x1bb: {  	v33 =	vld [tilespmem:s21+$0x5570];
	[tilespmem:s20+$0xA570] =	vst v11  }
0x1bc: {  	v11 =	vld.idx.msk [tilespmem:v32+s10+$0x0], $0xffff;
	[tilespmem:s21+$0xA560] =	vst v12  }
0x1bd: {  	v12 =	vld.idx.msk [tilespmem:v29+s10+$0x0], $0xffff  }
0x1be: {  	v35 =	vld [tilespmem:s21+$0x900]  }
0x1bf: {  	v34 =	vld.idx.msk [tilespmem:v29+s4+$0x0], $0xffff  }
0x1c0: {  	v36 =	vld [tilespmem:s20+$0x5900]  }
0x1c1: {  	v37 =	vld.idx.msk [tilespmem:v32+s4+$0x0], $0xffff  }
0x1c2: {  	v38 =	vld [tilespmem:s20+$0x910];
	v12 =	vmul.f32 v33, v12;
	_ =	sdelay $0x1  }
0x1c3: {  	v12 =	vadd.f32 v12, v34  }
0x1c4: {  	v11 =	vmul.f32 v36, v11  }
0x1c5: {  	v39 =	vld [tilespmem:s21+$0x5900];
	[tilespmem:s21+$0xA570] =	vst v12  }
0x1c6: {  	v11 =	vadd.f32 v11, v37;
	v12 =	vld.idx.msk [tilespmem:v35+s10+$0x0], $0xffff  }
0x1c7: {  	v41 =	vld [tilespmem:s21+$0x910]  }
0x1c8: {  	[tilespmem:s20+$0xA900] =	vst v11;
	v40 =	vld.idx.msk [tilespmem:v35+s4+$0x0], $0xffff  }
0x1c9: {  	v11 =	vld.idx.msk [tilespmem:v38+s10+$0x0], $0xffff  }
0x1ca: {  	v42 =	vld [tilespmem:s20+$0x5910]  }
0x1cb: {  	v43 =	vld.idx.msk [tilespmem:v38+s4+$0x0], $0xffff;
	v12 =	vmul.f32 v39, v12  }
0x1cc: {  	v44 =	vld [tilespmem:s20+$0x920]  }
0x1cd: {  	v12 =	vadd.f32 v12, v40;
	_ =	sdelay $0x1  }
0x1ce: {  	v11 =	vmul.f32 v42, v11;
	v45 =	vld [tilespmem:s21+$0x5910];
	[tilespmem:s21+$0xA900] =	vst v12  }
0x1cf: {  	v12 =	vld.idx.msk [tilespmem:v41+s10+$0x0], $0xffff  }
0x1d0: {  	v11 =	vadd.f32 v11, v43;
	v47 =	vld [tilespmem:s21+$0x920]  }
0x1d1: {  	v46 =	vld.idx.msk [tilespmem:v41+s4+$0x0], $0xffff  }
0x1d2: {  	[tilespmem:s20+$0xA910] =	vst v11  }
0x1d3: {  	v11 =	vld.idx.msk [tilespmem:v44+s10+$0x0], $0xffff  }
0x1d4: {  	v48 =	vld [tilespmem:s20+$0x5920];
	v12 =	vmul.f32 v45, v12  }
0x1d5: {  	v49 =	vld.idx.msk [tilespmem:v44+s4+$0x0], $0xffff  }
0x1d6: {  	v50 =	vld [tilespmem:s20+$0x930];
	v12 =	vadd.f32 v12, v46  }
0x1d7: {  	v18 =	vld [tilespmem:s20+$0x5940]  }
0x1d8: {  	v51 =	vld [tilespmem:s21+$0x5920];
	[tilespmem:s21+$0xA910] =	vst v12  }
0x1d9: {  	v11 =	vmul.f32 v48, v11;
	v12 =	vld.idx.msk [tilespmem:v47+s10+$0x0], $0xffff  }
0x1da: {  	v53 =	vld [tilespmem:s21+$0x930]  }
0x1db: {  	v11 =	vadd.f32 v11, v49;
	v52 =	vld.idx.msk [tilespmem:v47+s4+$0x0], $0xffff  }
0x1dc: {  	v54 =	vld [tilespmem:s20+$0x5930]  }
0x1dd: {  	v59 =	vld [tilespmem:s21+$0x940];
	[tilespmem:s20+$0xA920] =	vst v11  }
0x1de: {  	v11 =	vld.idx.msk [tilespmem:v50+s10+$0x0], $0xffff;
	v12 =	vmul.f32 v51, v12  }
0x1df: {  	v55 =	vld.idx.msk [tilespmem:v50+s4+$0x0], $0xffff  }
0x1e0: {  	v56 =	vld [tilespmem:s20+$0x940];
	v12 =	vadd.f32 v12, v52  }
0x1e1: {  	v63 =	vld [tilespmem:s20+$0x950]  }
0x1e2: {  	v57 =	vld [tilespmem:s21+$0x5930];
	[tilespmem:s21+$0xA920] =	vst v12  }
0x1e3: {  	v11 =	vmul.f32 v54, v11;
	v12 =	vld.idx.msk [tilespmem:v53+s10+$0x0], $0xffff  }
0x1e4: {  	v20 =	vld [tilespmem:s19+$0xD00]  }
0x1e5: {  	v11 =	vadd.f32 v11, v55;
	v58 =	vld.idx.msk [tilespmem:v53+s4+$0x0], $0xffff  }
0x1e6: {  	v24 =	vld [tilespmem:s21+$0x5940]  }
0x1e7: {  	v9 =	vmul.f32 v10, v9;
	v25 =	vld [tilespmem:s21+$0x950];
	[tilespmem:s20+$0xA930] =	vst v11  }
0x1e8: {  	v60 =	vld.idx.msk [tilespmem:v56+s10+$0x0], $0xffff;
	v61 =	vmul.f32 v57, v12  }
0x1e9: {  	v8 =	vadd.f32 v9, v8;
	v30 =	vld [tilespmem:s21+$0x960]  }
0x1ea: {  	v62 =	vld.idx.msk [tilespmem:v56+s4+$0x0], $0xffff;
	v13 =	vadd.f32 v61, v58  }
0x1eb: {  	[tilespmem:s19+$0xA960] =	vst v8;
	v31 =	vld [tilespmem:s20+$0xD20]  }
0x1ec: {  	v32 =	vld.idx.msk [tilespmem:v7+s10+$0x0], $0xffff;
	[tilespmem:s21+$0xA930] =	vst v13  }
0x1ed: {  	v23 =	vmul.f32 v18, v60;
	v19 =	vld.idx.msk [tilespmem:v59+s10+$0x0], $0xffff  }
0x1ee: {  	v36 =	vld [tilespmem:s21+$0x970]  }
0x1ef: {  	v14 =	vadd.f32 v23, v62;
	v16 =	vld.idx.msk [tilespmem:v59+s4+$0x0], $0xffff  }
0x1f0: {  	v37 =	vld [tilespmem:s20+$0xD10]  }
0x1f1: {  	v38 =	vld [tilespmem:s20+$0xD00];
	[tilespmem:s20+$0xA940] =	vst v14  }
0x1f2: {  	v21 =	vld.idx.msk [tilespmem:v63+s10+$0x0], $0xffff;
	v26 =	vmul.f32 v24, v19  }
0x1f3: {  	v27 =	vld [tilespmem:s20+$0x5950]  }
0x1f4: {  	v15 =	vld.idx.msk [tilespmem:v63+s4+$0x0], $0xffff;
	v16 =	vadd.f32 v26, v16  }
0x1f5: {  	v28 =	vld [tilespmem:s20+$0x960]  }
0x1f6: {  	v29 =	vld [tilespmem:s21+$0x5950];
	[tilespmem:s21+$0xA940] =	vst v16  }
0x1f7: {  	v16 =	vld.idx.msk [tilespmem:v25+s10+$0x0], $0xffff  }
0x1f8: {  	v43 =	vld [tilespmem:s21+$0x5970]  }
0x1f9: {  	v17 =	vmul.f32 v27, v21;
	v18 =	vld.idx.msk [tilespmem:v25+s4+$0x0], $0xffff  }
0x1fa: {  	v44 =	vld [tilespmem:s21+$0xD00]  }
0x1fb: {  	v49 =	vld [tilespmem:s19+$0x5D00];
	v15 =	vadd.f32 v17, v15  }
0x1fc: {  	v54 =	vld [tilespmem:s21+$0xD10];
	v10 =	vmul.f32 v29, v16  }
0x1fd: {  	v22 =	vld [tilespmem:s21+$0x5960];
	[tilespmem:s20+$0xA950] =	vst v15  }
0x1fe: {  	v15 =	vld.idx.msk [tilespmem:v28+s10+$0x0], $0xffff;
	v10 =	vadd.f32 v10, v18  }
0x1ff: {  	v33 =	vld [tilespmem:s20+$0x5960]  }
0x200: {  	v34 =	vld.idx.msk [tilespmem:v28+s4+$0x0], $0xffff;
	[tilespmem:s21+$0xA950] =	vst v10  }
0x201: {  	v10 =	vld.idx.msk [tilespmem:v30+s10+$0x0], $0xffff  }
0x202: {  	v35 =	vld [tilespmem:s20+$0x970]  }
0x203: {  	v9 =	vld.idx.msk [tilespmem:v30+s4+$0x0], $0xffff  }
0x204: {  	v55 =	vld [tilespmem:s19+$0x5D10]  }
0x205: {  	v11 =	vld [tilespmem:s20+$0xD70];
	v15 =	vmul.f32 v33, v15  }
0x206: {  	v23 =	vld [tilespmem:s19+$0x5970];
	v10 =	vmul.f32 v22, v10  }
0x207: {  	v62 =	vld [tilespmem:s21+$0xD20];
	v15 =	vadd.f32 v15, v34  }
0x208: {  	v39 =	vld.idx.msk [tilespmem:v7+s4+$0x0], $0xffff;
	v9 =	vadd.f32 v10, v9  }
0x209: {  	[tilespmem:s20+$0xA960] =	vst v15;
	v40 =	vld [tilespmem:s20+$0x5970]  }
0x20a: {  	v15 =	vld.idx.msk [tilespmem:v35+s10+$0x0], $0xffff;
	[tilespmem:s21+$0xA960] =	vst v9  }
0x20b: {  	v41 =	vmul.f32 v23, v32;
	v42 =	vld.idx.msk [tilespmem:v36+s10+$0x0], $0xffff  }
0x20c: {  	v19 =	vld.idx.msk [tilespmem:v35+s4+$0x0], $0xffff  }
0x20d: {  	v7 =	vadd.f32 v41, v39;
	v45 =	vld.idx.msk [tilespmem:v36+s4+$0x0], $0xffff  }
0x20e: {  	v14 =	vld [tilespmem:s20+$0xD40]  }
0x20f: {  	v21 =	vld [tilespmem:s20+$0xD30];
	[tilespmem:s19+$0xA970] =	vst v7;
	v10 =	vmul.f32 v40, v15  }
0x210: {  	v50 =	vld.idx.msk [tilespmem:v20+s4+$0x0], $0xffff;
	v48 =	vmul.f32 v43, v42  }
0x211: {  	v47 =	vld.idx.msk [tilespmem:v20+s10+$0x0], $0xffff;
	v46 =	vadd.f32 v10, v19  }
0x212: {  	v51 =	vld [tilespmem:s20+$0x5D00];
	v15 =	vadd.f32 v48, v45  }
0x213: {  	v53 =	vld [tilespmem:s21+$0x5D00];
	[tilespmem:s20+$0xA970] =	vst v46  }
0x214: {  	v7 =	vld.idx.msk [tilespmem:v38+s10+$0x0], $0xffff;
	[tilespmem:s21+$0xA970] =	vst v15  }
0x215: {  	v15 =	vld.idx.msk [tilespmem:v44+s10+$0x0], $0xffff  }
0x216: {  	v52 =	vld.idx.msk [tilespmem:v38+s4+$0x0], $0xffff  }
0x217: {  	v10 =	vmul.f32 v49, v47;
	v9 =	vld.idx.msk [tilespmem:v44+s4+$0x0], $0xffff  }
0x218: {  	v27 =	vld [tilespmem:s21+$0xD30]  }
0x219: {  	v28 =	vld [tilespmem:s19+$0x5D30];
	v10 =	vadd.f32 v10, v50;
	v7 =	vmul.f32 v51, v7  }
0x21a: {  	v57 =	vld [tilespmem:s20+$0x5D10];
	v15 =	vmul.f32 v53, v15  }
0x21b: {  	v61 =	vld [tilespmem:s21+$0x5D10];
	[tilespmem:s19+$0xAD00] =	vst v10;
	v7 =	vadd.f32 v7, v52  }
0x21c: {  	v10 =	vld.idx.msk [tilespmem:v6+s10+$0x0], $0xffff;
	v9 =	vadd.f32 v15, v9  }
0x21d: {  	v56 =	vld.idx.msk [tilespmem:v6+s4+$0x0], $0xffff;
	[tilespmem:s20+$0xAD00] =	vst v7  }
0x21e: {  	v7 =	vld.idx.msk [tilespmem:v37+s10+$0x0], $0xffff;
	[tilespmem:s21+$0xAD00] =	vst v9  }
0x21f: {  	v60 =	vld.idx.msk [tilespmem:v54+s10+$0x0], $0xffff  }
0x220: {  	v58 =	vld.idx.msk [tilespmem:v37+s4+$0x0], $0xffff  }
0x221: {  	v59 =	vmul.f32 v55, v10;
	v63 =	vld.idx.msk [tilespmem:v54+s4+$0x0], $0xffff  }
0x222: {  	v33 =	vld [tilespmem:s21+$0x5D30]  }
0x223: {  	v23 =	vld [tilespmem:s19+$0x5D20];
	v6 =	vadd.f32 v59, v56;
	v7 =	vmul.f32 v57, v7  }
0x224: {  	v26 =	vld [tilespmem:s21+$0x5D20];
	v10 =	vmul.f32 v61, v60  }
0x225: {  	v25 =	vld [tilespmem:s20+$0x5D20];
	[tilespmem:s19+$0xAD10] =	vst v6;
	v20 =	vadd.f32 v7, v58  }
0x226: {  	v22 =	vld.idx.msk [tilespmem:v5+s10+$0x0], $0xffff;
	v10 =	vadd.f32 v10, v63  }
0x227: {  	v24 =	vld.idx.msk [tilespmem:v5+s4+$0x0], $0xffff;
	[tilespmem:s20+$0xAD10] =	vst v20  }
0x228: {  	v6 =	vld.idx.msk [tilespmem:v31+s10+$0x0], $0xffff;
	[tilespmem:s21+$0xAD10] =	vst v10  }
0x229: {  	v10 =	vld.idx.msk [tilespmem:v62+s10+$0x0], $0xffff  }
0x22a: {  	v8 =	vld.idx.msk [tilespmem:v31+s4+$0x0], $0xffff  }
0x22b: {  	v7 =	vmul.f32 v23, v22;
	v9 =	vld.idx.msk [tilespmem:v62+s4+$0x0], $0xffff  }
0x22c: {  	v34 =	vld [tilespmem:s21+$0xD40]  }
0x22d: {  	v39 =	vld [tilespmem:s21+$0x5D40];
	v5 =	vadd.f32 v7, v24;
	v6 =	vmul.f32 v25, v6  }
0x22e: {  	v41 =	vld [tilespmem:s19+$0x5D50];
	v10 =	vmul.f32 v26, v10  }
0x22f: {  	v30 =	vld [tilespmem:s20+$0x5D30];
	[tilespmem:s19+$0xAD20] =	vst v5;
	v6 =	vadd.f32 v6, v8  }
0x230: {  	v5 =	vld.idx.msk [tilespmem:v4+s10+$0x0], $0xffff;
	v9 =	vadd.f32 v10, v9  }
0x231: {  	v29 =	vld.idx.msk [tilespmem:v4+s4+$0x0], $0xffff;
	[tilespmem:s20+$0xAD20] =	vst v6  }
0x232: {  	v6 =	vld.idx.msk [tilespmem:v21+s10+$0x0], $0xffff;
	[tilespmem:s21+$0xAD20] =	vst v9  }
0x233: {  	v32 =	vld.idx.msk [tilespmem:v27+s10+$0x0], $0xffff  }
0x234: {  	v31 =	vld.idx.msk [tilespmem:v21+s4+$0x0], $0xffff  }
0x235: {  	v5 =	vmul.f32 v28, v5;
	v7 =	vld.idx.msk [tilespmem:v27+s4+$0x0], $0xffff  }
0x236: {  	v13 =	vld [tilespmem:s20+$0xD50]  }
0x237: {  	v35 =	vld [tilespmem:s19+$0x5D40];
	v4 =	vadd.f32 v5, v29;
	v6 =	vmul.f32 v30, v6  }
0x238: {  	v40 =	vld [tilespmem:s21+$0xD50];
	v8 =	vmul.f32 v33, v32  }
0x239: {  	v37 =	vld [tilespmem:s20+$0x5D40];
	[tilespmem:s19+$0xAD30] =	vst v4;
	v6 =	vadd.f32 v6, v31  }
0x23a: {  	v4 =	vld.idx.msk [tilespmem:v3+s10+$0x0], $0xffff;
	v7 =	vadd.f32 v8, v7  }
0x23b: {  	v36 =	vld.idx.msk [tilespmem:v3+s4+$0x0], $0xffff;
	[tilespmem:s20+$0xAD30] =	vst v6  }
0x23c: {  	v6 =	vld.idx.msk [tilespmem:v14+s10+$0x0], $0xffff;
	[tilespmem:s21+$0xAD30] =	vst v7  }
0x23d: {  	v7 =	vld.idx.msk [tilespmem:v34+s10+$0x0], $0xffff  }
0x23e: {  	v38 =	vld.idx.msk [tilespmem:v14+s4+$0x0], $0xffff  }
0x23f: {  	v4 =	vmul.f32 v35, v4;
	v5 =	vld.idx.msk [tilespmem:v34+s4+$0x0], $0xffff  }
0x240: {  	v12 =	vld [tilespmem:s20+$0xD60]  }
0x241: {  	v46 =	vld [tilespmem:s21+$0xD60];
	v3 =	vadd.f32 v4, v36;
	v6 =	vmul.f32 v37, v6  }
0x242: {  	v43 =	vld [tilespmem:s20+$0x5D50];
	v7 =	vmul.f32 v39, v7  }
0x243: {  	v45 =	vld [tilespmem:s21+$0x5D50];
	[tilespmem:s19+$0xAD40] =	vst v3;
	v6 =	vadd.f32 v6, v38  }
0x244: {  	v3 =	vld.idx.msk [tilespmem:v2+s10+$0x0], $0xffff;
	v5 =	vadd.f32 v7, v5  }
0x245: {  	v42 =	vld.idx.msk [tilespmem:v2+s4+$0x0], $0xffff;
	[tilespmem:s20+$0xAD40] =	vst v6  }
0x246: {  	v6 =	vld.idx.msk [tilespmem:v13+s10+$0x0], $0xffff;
	[tilespmem:s21+$0xAD40] =	vst v5  }
0x247: {  	v5 =	vld.idx.msk [tilespmem:v40+s10+$0x0], $0xffff  }
0x248: {  	v44 =	vld.idx.msk [tilespmem:v13+s4+$0x0], $0xffff  }
0x249: {  	v3 =	vmul.f32 v41, v3;
	v4 =	vld.idx.msk [tilespmem:v40+s4+$0x0], $0xffff  }
0x24a: {  	v47 =	vld [tilespmem:s19+$0x5D60]  }
0x24b: {  	v49 =	vld [tilespmem:s20+$0x5D60];
	v2 =	vadd.f32 v3, v42;
	v6 =	vmul.f32 v43, v6  }
0x24c: {  	v51 =	vld [tilespmem:s21+$0x5D60];
	v5 =	vmul.f32 v45, v5  }
0x24d: {  	v52 =	vld [tilespmem:s21+$0xD70];
	[tilespmem:s19+$0xAD50] =	vst v2;
	v6 =	vadd.f32 v6, v44  }
0x24e: {  	v2 =	vld.idx.msk [tilespmem:v1+s10+$0x0], $0xffff;
	v4 =	vadd.f32 v5, v4  }
0x24f: {  	v48 =	vld.idx.msk [tilespmem:v1+s4+$0x0], $0xffff;
	[tilespmem:s20+$0xAD50] =	vst v6  }
0x250: {  	v6 =	vld.idx.msk [tilespmem:v12+s10+$0x0], $0xffff;
	[tilespmem:s21+$0xAD50] =	vst v4  }
0x251: {  	v4 =	vld.idx.msk [tilespmem:v46+s10+$0x0], $0xffff  }
0x252: {  	v50 =	vld.idx.msk [tilespmem:v12+s4+$0x0], $0xffff  }
0x253: {  	v2 =	vmul.f32 v47, v2;
	v53 =	vld.idx.msk [tilespmem:v46+s4+$0x0], $0xffff;
	_ =	sdelay $0x1  }
0x254: {  	v55 =	vld [tilespmem:s19+$0x5D70];
	v1 =	vadd.f32 v2, v48;
	v54 =	vmul.f32 v49, v6  }
0x255: {  	v57 =	vld [tilespmem:s20+$0x5D70];
	v4 =	vmul.f32 v51, v4  }
0x256: {  	v58 =	vld [tilespmem:s21+$0x5D70];
	[tilespmem:s19+$0xAD60] =	vst v1;
	v3 =	vadd.f32 v54, v50  }
0x257: {  	v1 =	vld.idx.msk [tilespmem:v0+s10+$0x0], $0xffff;
	v2 =	vadd.f32 v4, v53  }
0x258: {  	v56 =	vld.idx.msk [tilespmem:v0+s4+$0x0], $0xffff;
	[tilespmem:s20+$0xAD60] =	vst v3  }
0x259: {  	v3 =	vld.idx.msk [tilespmem:v11+s10+$0x0], $0xffff;
	[tilespmem:s21+$0xAD60] =	vst v2  }
0x25a: {  	v2 =	vld.idx.msk [tilespmem:v52+s10+$0x0], $0xffff  }
0x25b: {  	v59 =	vld.idx.msk [tilespmem:v11+s4+$0x0], $0xffff  }
0x25c: {  	v60 =	vld.idx.msk [tilespmem:v52+s4+$0x0], $0xffff  }
0x25d: {  	v1 =	vmul.f32 v55, v1  }
0x25e: {  	v3 =	vmul.f32 v57, v3  }
0x25f: {  	v0 =	vadd.f32 v1, v56;
	v61 =	vmul.f32 v58, v2  }
0x260: {  	v62 =	vadd.f32 v3, v59  }
0x261: {  	s18 =	sadd.s32 $0x1, s18;
	[tilespmem:s19+$0xAD70] =	vst v0;
	v63 =	vadd.f32 v61, v60  }
0x262: {  	p0 =	sne.s32 s18, s8;
	[tilespmem:s20+$0xAD70] =	vst v62  }
.Ltmp1:
0x263: {  	[tilespmem:s21+$0xAD70] =	vst v63;
	(pc) =	sbr.rel @p0 .LBB2_1-.Ltmp1, $4  }
0x264: {  	[hbm4b:s7+s11] =	stream.strided.scatter [tilespmem:s16], [sflag:$0x2], $0x5000, s12, s11, $0x38;
	[tilespmem:$0xF100] =	vst v63  }
0x265: {  	_ =	swait.ge [sflag:s17], $0x5000  }
0x266: {  	[sflag:s17] =	ssyncset.done $0x0  }
0x267: {  	[sflag:s17] =	ssyncadd.s32 $0xFFFFB000  }
0x268: {  	_ =	sfence.sel $0x180000  }
0x269: {  	[bflag:$0x0] =	sbarrier.arrive $0xFFFF  }
0x26a: {  	p0 =	sne.s32 s3, $0x0;
	_ =	strace $0x90000047  }
0x26b: {  	s0 =	sadd.s32 @!p0 $0x100000, s0;
	[bflag:$0x2] =	sbarrier.arrive $0xFFFF  }
0x26c: {  	[sflag:s0] =	ssyncadd.tile.s32 @!p0 $0x1;
	_ =	shalt  }
.Lfunc_end2:
_tile_overlayer_lowered:
.L_overlay_start_2:
0x26d: {  	(tag) =	ssettag $0x2  }
0x26e: {  	s0 =	rddreg [dreg:$0x0];
	s2 =	stileid.u32  }
0x26f: {  	s1 =	rddreg [dreg:$0x1];
	p0 =	sne.s32 s2, $0x0  }
0x270: {  	s3 =	rddreg [dreg:$0x2];
	[bflag:$0x3] =	sbarrier.arrive $0xFFFF;
	s2 =	simm.s32 @!p0 $0x1C03  }
0x271: {  	[timem:s3], [sflag:s2] =	dma.local @!p0 [hbm:s0], s1  }
0x272: {  	s0 =	simm.s32 @!p0 $0x3  }
0x273: {  	_ =	swait.ge @!p0 [sflag:s0], s1  }
0x274: {  	s1 =	ssub.s32 @!p0 $0x0, s1;
	[sflag:s0] =	ssyncset.done @!p0 $0x0  }
0x275: {  	[sflag:s0] =	ssyncadd.s32 @!p0 s1  }
0x276: {  	[bflag:$0x3] =	sbarrier.arrive $0xFFFF  }
0x277: {  	_ =	shalt  }

</sc_bundles>
